<compile_context>
chip_gen: v7x
topology: tpu7x:2x2x1
jax: 0.10.2.dev20260603
libtpu: 0.0.44.dev20260713+nightly
codegen_flags: <defaults>
</compile_context>

<pallas_src>
import functools

import jax
import jax.numpy as jnp
from jax import lax
from jax.experimental import pallas as pl
from jax.experimental.pallas import tpu as pltpu
from jax.experimental.pallas import tpu_sc as plsc

N_V = 10000
N_HE = 10000
D_IN = 128
D = 128
NP = 10240
NC = 2
NS = 16
NW = NC * NS
BS = 128
E_FIX = 320000
NB = E_FIX // BS
QB = (NB // NW) & ~1
EXTRA = NB - NW * QB
EBASE = NW * QB



def _mm_body(x_ref, w_ref, b_ref, o_ref):
    o_ref[...] = (
        jnp.dot(x_ref[...], w_ref[...], preferred_element_type=jnp.float32)
        + b_ref[...]
    )


def _comb1_body(p_ref, dh_ref, o_ref):
    deg = jnp.sum(dh_ref[...], axis=0)[0:N_HE, None]
    o_ref[...] = (p_ref[0, 0:N_HE] + p_ref[1, 0:N_HE]) / jnp.maximum(deg, 1.0)


def _comb2_body(p_ref, dh_ref, o_ref):
    deg = jnp.sum(dh_ref[...], axis=0)[0:N_V, None]
    y = (p_ref[0, 0:N_V] + p_ref[1, 0:N_V]) / jnp.maximum(deg, 1.0)
    o_ref[...] = jnp.where(y >= 0, y, 0.01 * y)



def _sc_pass_body(feat_hbm, eidx_hbm, outf_hbm, outd_hbm,
                  gw0, gw1, sw0, sw1, buf0, buf1, hist, acc_sh,
                  isem0, isem1, gsem0, gsem1, ssem0, ssem1, *, GD, SD):
    c = lax.axis_index("c")
    s = lax.axis_index("s")
    w = c * NS + s
    off0 = w * (QB * BS)
    rows_per_tile = NP // NS

    z16 = jnp.zeros((16,), jnp.float32)
    ones16 = jnp.ones((16,), jnp.float32)

    def zrow(i, carry):
        for k in range(D // 16):
            buf0[i, pl.ds(k * 16, 16)] = z16
        return carry

    lax.fori_loop(0, BS, zrow, 0)

    def zhist(i, carry):
        hist[pl.ds(i * 16, 16)] = z16
        return carry

    lax.fori_loop(0, NP // 16, zhist, 0)

    for k in range(rows_per_tile // BS):
        pltpu.sync_copy(buf0, acc_sh.at[pl.ds(s * rows_per_tile + k * BS, BS)])
    plsc.subcore_barrier()

    gws = (gw0, gw1)
    sws = (sw0, sw1)
    bufs = (buf0, buf1)
    isems = (isem0, isem1)
    gsems = (gsem0, gsem1)
    ssems = (ssem0, ssem1)

    def hist_update(sw):
        for k in range(BS // 16):
            plsc.addupdate_scatter(hist, [sw[pl.ds(k * 16, 16)]], ones16)

    pltpu.sync_copy(eidx_hbm.at[GD, pl.ds(off0, BS)], gw0)
    pltpu.sync_copy(eidx_hbm.at[SD, pl.ds(off0, BS)], sw0)
    pltpu.async_copy(feat_hbm.at[gw0], buf0, gsem0)
    pltpu.async_copy(eidx_hbm.at[GD, pl.ds(off0 + BS, BS)], gw1, isem1)
    pltpu.async_copy(eidx_hbm.at[SD, pl.ds(off0 + BS, BS)], sw1, isem1)

    def half(j, p):
        q = 1 - p
        pltpu.make_async_copy(eidx_hbm.at[GD, pl.ds(0, BS)], gws[q], isems[q]).wait()
        pltpu.make_async_copy(eidx_hbm.at[SD, pl.ds(0, BS)], sws[q], isems[q]).wait()
        pltpu.async_copy(feat_hbm.at[gws[q]], bufs[q], gsems[q])
        pltpu.make_async_copy(feat_hbm.at[gws[p]], bufs[p], gsems[p]).wait()
        pltpu.async_copy(bufs[p], acc_sh.at[sws[p]], ssems[p], add=True)
        hist_update(sws[p])
        pltpu.make_async_copy(bufs[p], acc_sh.at[sws[p]], ssems[p]).wait()
        pltpu.async_copy(eidx_hbm.at[GD, pl.ds(off0 + (j + 2) * BS, BS)],
                         gws[p], isems[p])
        pltpu.async_copy(eidx_hbm.at[SD, pl.ds(off0 + (j + 2) * BS, BS)],
                         sws[p], isems[p])

    def body(i, carry):
        half(2 * i, 0)
        half(2 * i + 1, 1)
        return carry

    lax.fori_loop(0, QB // 2, body, 0)

    pltpu.make_async_copy(feat_hbm.at[gw0], buf0, gsem0).wait()
    pltpu.make_async_copy(eidx_hbm.at[GD, pl.ds(0, BS)], gw1, isem1).wait()
    pltpu.make_async_copy(eidx_hbm.at[SD, pl.ds(0, BS)], sw1, isem1).wait()

    @pl.when(w < EXTRA)
    def _():
        off_e = (EBASE + w) * BS
        pltpu.sync_copy(eidx_hbm.at[GD, pl.ds(off_e, BS)], gw0)
        pltpu.sync_copy(eidx_hbm.at[SD, pl.ds(off_e, BS)], sw0)
        pltpu.sync_copy(feat_hbm.at[gw0], buf0)
        pltpu.async_copy(buf0, acc_sh.at[sw0], ssem0, add=True)
        hist_update(sw0)
        pltpu.make_async_copy(buf0, acc_sh.at[sw0], ssem0).wait()

    plsc.subcore_barrier()

    pltpu.sync_copy(acc_sh.at[pl.ds(s * rows_per_tile, rows_per_tile)],
                    outf_hbm.at[c, pl.ds(s * rows_per_tile, rows_per_tile)])
    pltpu.sync_copy(hist, outd_hbm.at[c, s])


def _make_sc_pass(gd, sd):
    return functools.partial(
        pl.kernel,
        mesh=plsc.VectorSubcoreMesh(core_axis_name="c", subcore_axis_name="s"),
        compiler_params=pltpu.CompilerParams(needs_layout_passes=False),
        out_type=[
            jax.ShapeDtypeStruct((NC, NP, D), jnp.float32),
            jax.ShapeDtypeStruct((NC, NS, NP), jnp.float32),
        ],
        scratch_types=[
            pltpu.VMEM((BS,), jnp.int32),
            pltpu.VMEM((BS,), jnp.int32),
            pltpu.VMEM((BS,), jnp.int32),
            pltpu.VMEM((BS,), jnp.int32),
            pltpu.VMEM((BS, D), jnp.float32),
            pltpu.VMEM((BS, D), jnp.float32),
            pltpu.VMEM((NP,), jnp.float32),
            pltpu.VMEM_SHARED((NP, D), jnp.float32),
            pltpu.SemaphoreType.DMA,
            pltpu.SemaphoreType.DMA,
            pltpu.SemaphoreType.DMA,
            pltpu.SemaphoreType.DMA,
            pltpu.SemaphoreType.DMA,
            pltpu.SemaphoreType.DMA,
        ],
    )(functools.partial(_sc_pass_body, GD=gd, SD=sd))


_sc_pass_v2e = _make_sc_pass(0, 1)
_sc_pass_e2v = _make_sc_pass(1, 0)



def kernel(X, edge_index, W, b):
    X = X.astype(jnp.float32)
    W = W.astype(jnp.float32)
    b = b.astype(jnp.float32)

    Xt = pl.pallas_call(
        _mm_body,
        out_shape=jax.ShapeDtypeStruct((N_V, D), jnp.float32),
    )(X, W, b[None, :])

    eidx = edge_index.astype(jnp.int32)

    p1, dh1 = _sc_pass_v2e(Xt, eidx)
    e_feat = pl.pallas_call(
        _comb1_body,
        out_shape=jax.ShapeDtypeStruct((N_HE, D), jnp.float32),
    )(p1, dh1.reshape(NW, NP))

    p2, dh2 = _sc_pass_e2v(e_feat, eidx)
    out = pl.pallas_call(
        _comb2_body,
        out_shape=jax.ShapeDtypeStruct((N_V, D), jnp.float32),
    )(p2, dh2.reshape(NW, NP))
    return out

# --- scband reference (transcript-rebuilt; emitter-appended) ---
"""Pipeline reference for scband-hgnnpconv-69123203662122 (READ-ONLY COPY).

The authoritative reference and input builder live on the scoring server;
editing this copy changes nothing except your own understanding.
"""

import jax, jax.numpy as jnp
import numpy as np

N_V = 10000      # vertices
N_HE = 10000     # hyperedges
E_INC = 320000   # incidence pairs (vertex, hyperedge)
D_IN = 128
D_OUT = 128


def setup_inputs(seed: int = 0) -> dict:
    key = jax.random.key(seed)
    k1, k2, k3 = jax.random.split(key, 3)
    X = jax.random.normal(k1, (N_V, D_IN), dtype=jnp.float32)
    # row 0: vertex ids, row 1: hyperedge ids
    edge_index = jax.random.randint(k2, (2, E_INC), 0, N_V)
    W = jax.random.normal(k3, (D_IN, D_OUT), dtype=jnp.float32) * (1.0 / np.sqrt(D_IN))
    b = jnp.zeros((D_OUT,), dtype=jnp.float32)
    return {"X": X, "edge_index": edge_index, "W": W, "b": b}


def reference(X, edge_index, W, b):
    # theta(X)
    Xt = X @ W + b
    vid = edge_index[0]
    eid = edge_index[1]
    ones = jnp.ones((vid.shape[0],), dtype=Xt.dtype)
    # v2e with mean aggregation: gather vertex feats, scatter-add into hyperedges
    deg_e = jax.ops.segment_sum(ones, eid, num_segments=N_HE)
    e_sum = jax.ops.segment_sum(jnp.take(Xt, vid, axis=0), eid, num_segments=N_HE)
    e_feat = e_sum / jnp.clip(deg_e, 1.0)[:, None]
    # e2v with mean aggregation: gather hyperedge feats, scatter-add into vertices
    deg_v = jax.ops.segment_sum(ones, vid, num_segments=N_V)
    v_sum = jax.ops.segment_sum(jnp.take(e_feat, eid, axis=0), vid, num_segments=N_V)
    out = v_sum / jnp.clip(deg_v, 1.0)[:, None]
    return jax.nn.leaky_relu(out, negative_slope=0.01)

if __name__ == "__main__":
    import jax
    _d = setup_inputs()
    print(jax.jit(kernel)(*tuple(_d.values())))

</pallas_src>

<mosaic_0001>
#map = affine_map<(d0, d1) -> (0, 0)>
#map1 = affine_map<(d0, d1) -> (0, 0, 0)>
module attributes {stable_mosaic.version = 14 : i64} {
  func.func @_sc_pass_body(%arg0: i32, %arg1: i32, %arg2: memref<10000x128xf32, #tpu.memory_space<hbm>>, %arg3: memref<2x320000xi32, #tpu.memory_space<hbm>>, %arg4: memref<2x10240x128xf32, #tpu.memory_space<hbm>>, %arg5: memref<2x16x10240xf32, #tpu.memory_space<hbm>>, %arg6: memref<128xi32, #tpu.memory_space<vmem>>, %arg7: memref<128xi32, #tpu.memory_space<vmem>>, %arg8: memref<128xi32, #tpu.memory_space<vmem>>, %arg9: memref<128xi32, #tpu.memory_space<vmem>>, %arg10: memref<128x128xf32, #tpu.memory_space<vmem>>, %arg11: memref<128x128xf32, #tpu.memory_space<vmem>>, %arg12: memref<10240xf32, #tpu.memory_space<vmem>>, %arg13: memref<10240x128xf32, #tpu.memory_space<vmem_shared>>, %arg14: memref<!tpu.dma_semaphore, #tpu.memory_space<semaphore_mem>>, %arg15: memref<!tpu.dma_semaphore, #tpu.memory_space<semaphore_mem>>, %arg16: memref<!tpu.dma_semaphore, #tpu.memory_space<semaphore_mem>>, %arg17: memref<!tpu.dma_semaphore, #tpu.memory_space<semaphore_mem>>, %arg18: memref<!tpu.dma_semaphore, #tpu.memory_space<semaphore_mem>>, %arg19: memref<!tpu.dma_semaphore, #tpu.memory_space<semaphore_mem>>) attributes {dimension_semantics = [#tpu.dimension_semantics<core_parallel>, #tpu.dimension_semantics<subcore_parallel>], iteration_bounds = array<i64: 2, 16>, scalar_prefetch = 0 : i64, scratch_operands = 14 : i64, tpu.core_type = #tpu.core_type<sc_vector_subcore>, window_params = [{transform_indices = #map}, {transform_indices = #map}, {transform_indices = #map1}, {transform_indices = #map1}]} {
    %mul3A = arith.constant 16 : i32
    %mul3A_0 = arith.muli %arg0, %mul3A : i32
    %add3A = arith.addi %mul3A_0, %arg1 : i32
    %mul3A_1 = arith.constant 9984 : i32
    %mul3A_2 = arith.muli %add3A, %mul3A_1 : i32
    %broadcast_in_dim3A = arith.constant 0.000000e+00 : f32
    %broadcast_in_dim3A_3 = vector.broadcast %broadcast_in_dim3A : f32 to vector<16xf32>
    %broadcast_in_dim3A_4 = arith.constant 1.000000e+00 : f32
    %broadcast_in_dim3A_5 = vector.broadcast %broadcast_in_dim3A_4 : f32 to vector<16xf32>
    %scan3A = arith.constant 0 : i32
    %scan3A_6 = arith.constant 0 : i32
    %scan3A_7 = arith.constant 128 : i32
    %scan3A_8 = arith.addi %scan3A_6, %scan3A_7 : i32
    %scan3A_9 = arith.constant 1 : i32
    scf.for %scan3A_83 = %scan3A_6 to %scan3A_8 step %scan3A_9  : i32 {
      %swap3A = arith.index_cast %scan3A_83 : i32 to index
      %swap3A_84 = arith.constant 0 : index
      %swap3A_85 = tpu.vector_load %arg10[%swap3A, %swap3A_84] {strides = array<i32>} : memref<128x128xf32, #tpu.memory_space<vmem>>, vector<16xf32>,
      tpu.vector_store %arg10[%swap3A, %swap3A_84], %broadcast_in_dim3A_3 {strides = array<i32>} : memref<128x128xf32, #tpu.memory_space<vmem>>, vector<16xf32>,
      %swap3A_86 = arith.index_cast %scan3A_83 : i32 to index
      %swap3A_87 = arith.constant 16 : index
      %swap3A_88 = tpu.vector_load %arg10[%swap3A_86, %swap3A_87] {strides = array<i32>} : memref<128x128xf32, #tpu.memory_space<vmem>>, vector<16xf32>,
      tpu.vector_store %arg10[%swap3A_86, %swap3A_87], %broadcast_in_dim3A_3 {strides = array<i32>} : memref<128x128xf32, #tpu.memory_space<vmem>>, vector<16xf32>,
      %swap3A_89 = arith.index_cast %scan3A_83 : i32 to index
      %swap3A_90 = arith.constant 32 : index
      %swap3A_91 = tpu.vector_load %arg10[%swap3A_89, %swap3A_90] {strides = array<i32>} : memref<128x128xf32, #tpu.memory_space<vmem>>, vector<16xf32>,
      tpu.vector_store %arg10[%swap3A_89, %swap3A_90], %broadcast_in_dim3A_3 {strides = array<i32>} : memref<128x128xf32, #tpu.memory_space<vmem>>, vector<16xf32>,
      %swap3A_92 = arith.index_cast %scan3A_83 : i32 to index
      %swap3A_93 = arith.constant 48 : index
      %swap3A_94 = tpu.vector_load %arg10[%swap3A_92, %swap3A_93] {strides = array<i32>} : memref<128x128xf32, #tpu.memory_space<vmem>>, vector<16xf32>,
      tpu.vector_store %arg10[%swap3A_92, %swap3A_93], %broadcast_in_dim3A_3 {strides = array<i32>} : memref<128x128xf32, #tpu.memory_space<vmem>>, vector<16xf32>,
      %swap3A_95 = arith.index_cast %scan3A_83 : i32 to index
      %swap3A_96 = arith.constant 64 : index
      %swap3A_97 = tpu.vector_load %arg10[%swap3A_95, %swap3A_96] {strides = array<i32>} : memref<128x128xf32, #tpu.memory_space<vmem>>, vector<16xf32>,
      tpu.vector_store %arg10[%swap3A_95, %swap3A_96], %broadcast_in_dim3A_3 {strides = array<i32>} : memref<128x128xf32, #tpu.memory_space<vmem>>, vector<16xf32>,
      %swap3A_98 = arith.index_cast %scan3A_83 : i32 to index
      %swap3A_99 = arith.constant 80 : index
      %swap3A_100 = tpu.vector_load %arg10[%swap3A_98, %swap3A_99] {strides = array<i32>} : memref<128x128xf32, #tpu.memory_space<vmem>>, vector<16xf32>,
      tpu.vector_store %arg10[%swap3A_98, %swap3A_99], %broadcast_in_dim3A_3 {strides = array<i32>} : memref<128x128xf32, #tpu.memory_space<vmem>>, vector<16xf32>,
      %swap3A_101 = arith.index_cast %scan3A_83 : i32 to index
      %swap3A_102 = arith.constant 96 : index
      %swap3A_103 = tpu.vector_load %arg10[%swap3A_101, %swap3A_102] {strides = array<i32>} : memref<128x128xf32, #tpu.memory_space<vmem>>, vector<16xf32>,
      tpu.vector_store %arg10[%swap3A_101, %swap3A_102], %broadcast_in_dim3A_3 {strides = array<i32>} : memref<128x128xf32, #tpu.memory_space<vmem>>, vector<16xf32>,
      %swap3A_104 = arith.index_cast %scan3A_83 : i32 to index
      %swap3A_105 = arith.constant 112 : index
      %swap3A_106 = tpu.vector_load %arg10[%swap3A_104, %swap3A_105] {strides = array<i32>} : memref<128x128xf32, #tpu.memory_space<vmem>>, vector<16xf32>,
      tpu.vector_store %arg10[%swap3A_104, %swap3A_105], %broadcast_in_dim3A_3 {strides = array<i32>} : memref<128x128xf32, #tpu.memory_space<vmem>>, vector<16xf32>,
    }
    %scan3A_10 = arith.constant 128 : i32
    %scan3A_11 = arith.constant 0 : i32
    %scan3A_12 = arith.constant 0 : i32
    %scan3A_13 = arith.constant 640 : i32
    %scan3A_14 = arith.addi %scan3A_12, %scan3A_13 : i32
    %scan3A_15 = arith.constant 1 : i32
    scf.for %scan3A_83 = %scan3A_12 to %scan3A_14 step %scan3A_15  : i32 {
      %mul3A_84 = arith.constant 16 : i32
      %mul3A_85 = arith.muli %scan3A_83, %mul3A_84 : i32
      %swap3A = arith.index_cast %mul3A_85 : i32 to index
      %swap3A_86 = tpu.vector_load %arg12[%swap3A] {strides = array<i32>} : memref<10240xf32, #tpu.memory_space<vmem>>, vector<16xf32>,
      tpu.vector_store %arg12[%swap3A], %broadcast_in_dim3A_3 {strides = array<i32>} : memref<10240xf32, #tpu.memory_space<vmem>>, vector<16xf32>,
    }
    %scan3A_16 = arith.constant 640 : i32
    %mul3A_17 = arith.constant 640 : i32
    %mul3A_18 = arith.muli %arg1, %mul3A_17 : i32
    %add3A_19 = arith.constant 0 : i32
    %add3A_20 = arith.addi %mul3A_18, %add3A_19 : i32
    "tpu.region"() ({
      %run_scoped3A_83 = tpu.sem_alloc : memref<!tpu.dma_semaphore, #tpu.memory_space<semaphore_mem>>
      %dma_start3A_84 = arith.constant 0 : i32
      %dma_start3A_85 = tpu.memref_slice %arg13[%add3A_20, %dma_start3A_84] : memref<10240x128xf32, #tpu.memory_space<vmem_shared>> -> memref<128x128xf32, #tpu.memory_space<vmem_shared>>
      %dma_start3A_86 = arith.constant 0 : i32
      %dma_start3A_87 = tpu.memref_slice %arg13[%add3A_20, %dma_start3A_86] : memref<10240x128xf32, #tpu.memory_space<vmem_shared>> -> memref<128x128xf32, #tpu.memory_space<vmem_shared>>
      tpu.enqueue_dma source(%arg10 : memref<128x128xf32, #tpu.memory_space<vmem>>) target(%dma_start3A_87 : memref<128x128xf32, #tpu.memory_space<vmem_shared>>) target_semaphore(%run_scoped3A_83 : memref<!tpu.dma_semaphore, #tpu.memory_space<semaphore_mem>>)
      %dma_wait3A_88 = arith.constant 0 : i32
      %dma_wait3A_89 = tpu.memref_slice %arg13[%add3A_20, %dma_wait3A_88] : memref<10240x128xf32, #tpu.memory_space<vmem_shared>> -> memref<128x128xf32, #tpu.memory_space<vmem_shared>>
      %dma_wait3A_90 = arith.constant 0 : i32
      %dma_wait3A_91 = tpu.memref_slice %arg13[%add3A_20, %dma_wait3A_90] : memref<10240x128xf32, #tpu.memory_space<vmem_shared>> -> memref<128x128xf32, #tpu.memory_space<vmem_shared>>
      tpu.wait_dma2 semaphore(%run_scoped3A_83 : memref<!tpu.dma_semaphore, #tpu.memory_space<semaphore_mem>>) src(%arg10 : memref<128x128xf32, #tpu.memory_space<vmem>>) dst(%dma_wait3A_91 : memref<128x128xf32, #tpu.memory_space<vmem_shared>>)
      tpu.yield
    }) : () -> ()
    %mul3A_21 = arith.constant 640 : i32
    %mul3A_22 = arith.muli %arg1, %mul3A_21 : i32
    %add3A_23 = arith.constant 128 : i32
    %add3A_24 = arith.addi %mul3A_22, %add3A_23 : i32
    "tpu.region"() ({
      %run_scoped3A_83 = tpu.sem_alloc : memref<!tpu.dma_semaphore, #tpu.memory_space<semaphore_mem>>
      %dma_start3A_84 = arith.constant 0 : i32
      %dma_start3A_85 = tpu.memref_slice %arg13[%add3A_24, %dma_start3A_84] : memref<10240x128xf32, #tpu.memory_space<vmem_shared>> -> memref<128x128xf32, #tpu.memory_space<vmem_shared>>
      %dma_start3A_86 = arith.constant 0 : i32
      %dma_start3A_87 = tpu.memref_slice %arg13[%add3A_24, %dma_start3A_86] : memref<10240x128xf32, #tpu.memory_space<vmem_shared>> -> memref<128x128xf32, #tpu.memory_space<vmem_shared>>
      tpu.enqueue_dma source(%arg10 : memref<128x128xf32, #tpu.memory_space<vmem>>) target(%dma_start3A_87 : memref<128x128xf32, #tpu.memory_space<vmem_shared>>) target_semaphore(%run_scoped3A_83 : memref<!tpu.dma_semaphore, #tpu.memory_space<semaphore_mem>>)
      %dma_wait3A_88 = arith.constant 0 : i32
      %dma_wait3A_89 = tpu.memref_slice %arg13[%add3A_24, %dma_wait3A_88] : memref<10240x128xf32, #tpu.memory_space<vmem_shared>> -> memref<128x128xf32, #tpu.memory_space<vmem_shared>>
      %dma_wait3A_90 = arith.constant 0 : i32
      %dma_wait3A_91 = tpu.memref_slice %arg13[%add3A_24, %dma_wait3A_90] : memref<10240x128xf32, #tpu.memory_space<vmem_shared>> -> memref<128x128xf32, #tpu.memory_space<vmem_shared>>
      tpu.wait_dma2 semaphore(%run_scoped3A_83 : memref<!tpu.dma_semaphore, #tpu.memory_space<semaphore_mem>>) src(%arg10 : memref<128x128xf32, #tpu.memory_space<vmem>>) dst(%dma_wait3A_91 : memref<128x128xf32, #tpu.memory_space<vmem_shared>>)
      tpu.yield
    }) : () -> ()
    %mul3A_25 = arith.constant 640 : i32
    %mul3A_26 = arith.muli %arg1, %mul3A_25 : i32
    %add3A_27 = arith.constant 256 : i32
    %add3A_28 = arith.addi %mul3A_26, %add3A_27 : i32
    "tpu.region"() ({
      %run_scoped3A_83 = tpu.sem_alloc : memref<!tpu.dma_semaphore, #tpu.memory_space<semaphore_mem>>
      %dma_start3A_84 = arith.constant 0 : i32
      %dma_start3A_85 = tpu.memref_slice %arg13[%add3A_28, %dma_start3A_84] : memref<10240x128xf32, #tpu.memory_space<vmem_shared>> -> memref<128x128xf32, #tpu.memory_space<vmem_shared>>
      %dma_start3A_86 = arith.constant 0 : i32
      %dma_start3A_87 = tpu.memref_slice %arg13[%add3A_28, %dma_start3A_86] : memref<10240x128xf32, #tpu.memory_space<vmem_shared>> -> memref<128x128xf32, #tpu.memory_space<vmem_shared>>
      tpu.enqueue_dma source(%arg10 : memref<128x128xf32, #tpu.memory_space<vmem>>) target(%dma_start3A_87 : memref<128x128xf32, #tpu.memory_space<vmem_shared>>) target_semaphore(%run_scoped3A_83 : memref<!tpu.dma_semaphore, #tpu.memory_space<semaphore_mem>>)
      %dma_wait3A_88 = arith.constant 0 : i32
      %dma_wait3A_89 = tpu.memref_slice %arg13[%add3A_28, %dma_wait3A_88] : memref<10240x128xf32, #tpu.memory_space<vmem_shared>> -> memref<128x128xf32, #tpu.memory_space<vmem_shared>>
      %dma_wait3A_90 = arith.constant 0 : i32
      %dma_wait3A_91 = tpu.memref_slice %arg13[%add3A_28, %dma_wait3A_90] : memref<10240x128xf32, #tpu.memory_space<vmem_shared>> -> memref<128x128xf32, #tpu.memory_space<vmem_shared>>
      tpu.wait_dma2 semaphore(%run_scoped3A_83 : memref<!tpu.dma_semaphore, #tpu.memory_space<semaphore_mem>>) src(%arg10 : memref<128x128xf32, #tpu.memory_space<vmem>>) dst(%dma_wait3A_91 : memref<128x128xf32, #tpu.memory_space<vmem_shared>>)
      tpu.yield
    }) : () -> ()
    %mul3A_29 = arith.constant 640 : i32
    %mul3A_30 = arith.muli %arg1, %mul3A_29 : i32
    %add3A_31 = arith.constant 384 : i32
    %add3A_32 = arith.addi %mul3A_30, %add3A_31 : i32
    "tpu.region"() ({
      %run_scoped3A_83 = tpu.sem_alloc : memref<!tpu.dma_semaphore, #tpu.memory_space<semaphore_mem>>
      %dma_start3A_84 = arith.constant 0 : i32
      %dma_start3A_85 = tpu.memref_slice %arg13[%add3A_32, %dma_start3A_84] : memref<10240x128xf32, #tpu.memory_space<vmem_shared>> -> memref<128x128xf32, #tpu.memory_space<vmem_shared>>
      %dma_start3A_86 = arith.constant 0 : i32
      %dma_start3A_87 = tpu.memref_slice %arg13[%add3A_32, %dma_start3A_86] : memref<10240x128xf32, #tpu.memory_space<vmem_shared>> -> memref<128x128xf32, #tpu.memory_space<vmem_shared>>
      tpu.enqueue_dma source(%arg10 : memref<128x128xf32, #tpu.memory_space<vmem>>) target(%dma_start3A_87 : memref<128x128xf32, #tpu.memory_space<vmem_shared>>) target_semaphore(%run_scoped3A_83 : memref<!tpu.dma_semaphore, #tpu.memory_space<semaphore_mem>>)
      %dma_wait3A_88 = arith.constant 0 : i32
      %dma_wait3A_89 = tpu.memref_slice %arg13[%add3A_32, %dma_wait3A_88] : memref<10240x128xf32, #tpu.memory_space<vmem_shared>> -> memref<128x128xf32, #tpu.memory_space<vmem_shared>>
      %dma_wait3A_90 = arith.constant 0 : i32
      %dma_wait3A_91 = tpu.memref_slice %arg13[%add3A_32, %dma_wait3A_90] : memref<10240x128xf32, #tpu.memory_space<vmem_shared>> -> memref<128x128xf32, #tpu.memory_space<vmem_shared>>
      tpu.wait_dma2 semaphore(%run_scoped3A_83 : memref<!tpu.dma_semaphore, #tpu.memory_space<semaphore_mem>>) src(%arg10 : memref<128x128xf32, #tpu.memory_space<vmem>>) dst(%dma_wait3A_91 : memref<128x128xf32, #tpu.memory_space<vmem_shared>>)
      tpu.yield
    }) : () -> ()
    %mul3A_33 = arith.constant 640 : i32
    %mul3A_34 = arith.muli %arg1, %mul3A_33 : i32
    %add3A_35 = arith.constant 512 : i32
    %add3A_36 = arith.addi %mul3A_34, %add3A_35 : i32
    "tpu.region"() ({
      %run_scoped3A_83 = tpu.sem_alloc : memref<!tpu.dma_semaphore, #tpu.memory_space<semaphore_mem>>
      %dma_start3A_84 = arith.constant 0 : i32
      %dma_start3A_85 = tpu.memref_slice %arg13[%add3A_36, %dma_start3A_84] : memref<10240x128xf32, #tpu.memory_space<vmem_shared>> -> memref<128x128xf32, #tpu.memory_space<vmem_shared>>
      %dma_start3A_86 = arith.constant 0 : i32
      %dma_start3A_87 = tpu.memref_slice %arg13[%add3A_36, %dma_start3A_86] : memref<10240x128xf32, #tpu.memory_space<vmem_shared>> -> memref<128x128xf32, #tpu.memory_space<vmem_shared>>
      tpu.enqueue_dma source(%arg10 : memref<128x128xf32, #tpu.memory_space<vmem>>) target(%dma_start3A_87 : memref<128x128xf32, #tpu.memory_space<vmem_shared>>) target_semaphore(%run_scoped3A_83 : memref<!tpu.dma_semaphore, #tpu.memory_space<semaphore_mem>>)
      %dma_wait3A_88 = arith.constant 0 : i32
      %dma_wait3A_89 = tpu.memref_slice %arg13[%add3A_36, %dma_wait3A_88] : memref<10240x128xf32, #tpu.memory_space<vmem_shared>> -> memref<128x128xf32, #tpu.memory_space<vmem_shared>>
      %dma_wait3A_90 = arith.constant 0 : i32
      %dma_wait3A_91 = tpu.memref_slice %arg13[%add3A_36, %dma_wait3A_90] : memref<10240x128xf32, #tpu.memory_space<vmem_shared>> -> memref<128x128xf32, #tpu.memory_space<vmem_shared>>
      tpu.wait_dma2 semaphore(%run_scoped3A_83 : memref<!tpu.dma_semaphore, #tpu.memory_space<semaphore_mem>>) src(%arg10 : memref<128x128xf32, #tpu.memory_space<vmem>>) dst(%dma_wait3A_91 : memref<128x128xf32, #tpu.memory_space<vmem_shared>>)
      tpu.yield
    }) : () -> ()
    %barrier3A = arith.constant 0 : index
    tpu.barrier barrier_id(%barrier3A)
    %run_scoped3A = arith.constant 0 : i32
    "tpu.region"() ({
      %run_scoped3A_83 = tpu.sem_alloc : memref<!tpu.dma_semaphore, #tpu.memory_space<semaphore_mem>>
      %dma_start3A_84 = tpu.memref_slice %arg3[%run_scoped3A, %mul3A_2] : memref<2x320000xi32, #tpu.memory_space<hbm>> -> memref<1x128xi32, #tpu.memory_space<hbm>>
      %dma_start3A_85 = tpu.memref_squeeze %dma_start3A_84 : memref<1x128xi32, #tpu.memory_space<hbm>> -> memref<128xi32, #tpu.memory_space<hbm>>
      %dma_start3A_86 = tpu.memref_slice %arg3[%run_scoped3A, %mul3A_2] : memref<2x320000xi32, #tpu.memory_space<hbm>> -> memref<1x128xi32, #tpu.memory_space<hbm>>
      %dma_start3A_87 = tpu.memref_squeeze %dma_start3A_86 : memref<1x128xi32, #tpu.memory_space<hbm>> -> memref<128xi32, #tpu.memory_space<hbm>>
      tpu.enqueue_dma source(%dma_start3A_87 : memref<128xi32, #tpu.memory_space<hbm>>) target(%arg6 : memref<128xi32, #tpu.memory_space<vmem>>) target_semaphore(%run_scoped3A_83 : memref<!tpu.dma_semaphore, #tpu.memory_space<semaphore_mem>>)
      %dma_wait3A_88 = tpu.memref_slice %arg3[%run_scoped3A, %mul3A_2] : memref<2x320000xi32, #tpu.memory_space<hbm>> -> memref<1x128xi32, #tpu.memory_space<hbm>>
      %dma_wait3A_89 = tpu.memref_squeeze %dma_wait3A_88 : memref<1x128xi32, #tpu.memory_space<hbm>> -> memref<128xi32, #tpu.memory_space<hbm>>
      %dma_wait3A_90 = tpu.memref_slice %arg3[%run_scoped3A, %mul3A_2] : memref<2x320000xi32, #tpu.memory_space<hbm>> -> memref<1x128xi32, #tpu.memory_space<hbm>>
      %dma_wait3A_91 = tpu.memref_squeeze %dma_wait3A_90 : memref<1x128xi32, #tpu.memory_space<hbm>> -> memref<128xi32, #tpu.memory_space<hbm>>
      tpu.wait_dma2 semaphore(%run_scoped3A_83 : memref<!tpu.dma_semaphore, #tpu.memory_space<semaphore_mem>>) src(%dma_wait3A_91 : memref<128xi32, #tpu.memory_space<hbm>>) dst(%arg6 : memref<128xi32, #tpu.memory_space<vmem>>)
      tpu.yield
    }) : () -> ()
    %run_scoped3A_37 = arith.constant 1 : i32
    "tpu.region"() ({
      %run_scoped3A_83 = tpu.sem_alloc : memref<!tpu.dma_semaphore, #tpu.memory_space<semaphore_mem>>
      %dma_start3A_84 = tpu.memref_slice %arg3[%run_scoped3A_37, %mul3A_2] : memref<2x320000xi32, #tpu.memory_space<hbm>> -> memref<1x128xi32, #tpu.memory_space<hbm>>
      %dma_start3A_85 = tpu.memref_squeeze %dma_start3A_84 : memref<1x128xi32, #tpu.memory_space<hbm>> -> memref<128xi32, #tpu.memory_space<hbm>>
      %dma_start3A_86 = tpu.memref_slice %arg3[%run_scoped3A_37, %mul3A_2] : memref<2x320000xi32, #tpu.memory_space<hbm>> -> memref<1x128xi32, #tpu.memory_space<hbm>>
      %dma_start3A_87 = tpu.memref_squeeze %dma_start3A_86 : memref<1x128xi32, #tpu.memory_space<hbm>> -> memref<128xi32, #tpu.memory_space<hbm>>
      tpu.enqueue_dma source(%dma_start3A_87 : memref<128xi32, #tpu.memory_space<hbm>>) target(%arg8 : memref<128xi32, #tpu.memory_space<vmem>>) target_semaphore(%run_scoped3A_83 : memref<!tpu.dma_semaphore, #tpu.memory_space<semaphore_mem>>)
      %dma_wait3A_88 = tpu.memref_slice %arg3[%run_scoped3A_37, %mul3A_2] : memref<2x320000xi32, #tpu.memory_space<hbm>> -> memref<1x128xi32, #tpu.memory_space<hbm>>
      %dma_wait3A_89 = tpu.memref_squeeze %dma_wait3A_88 : memref<1x128xi32, #tpu.memory_space<hbm>> -> memref<128xi32, #tpu.memory_space<hbm>>
      %dma_wait3A_90 = tpu.memref_slice %arg3[%run_scoped3A_37, %mul3A_2] : memref<2x320000xi32, #tpu.memory_space<hbm>> -> memref<1x128xi32, #tpu.memory_space<hbm>>
      %dma_wait3A_91 = tpu.memref_squeeze %dma_wait3A_90 : memref<1x128xi32, #tpu.memory_space<hbm>> -> memref<128xi32, #tpu.memory_space<hbm>>
      tpu.wait_dma2 semaphore(%run_scoped3A_83 : memref<!tpu.dma_semaphore, #tpu.memory_space<semaphore_mem>>) src(%dma_wait3A_91 : memref<128xi32, #tpu.memory_space<hbm>>) dst(%arg8 : memref<128xi32, #tpu.memory_space<vmem>>)
      tpu.yield
    }) : () -> ()
    %dma_start3A = arith.constant 0 : i32
    %dma_start3A_38 = arith.constant 0 : i32
    %dma_start3A_39 = tpu.memref_slice %arg2[%dma_start3A, %dma_start3A_38] : memref<10000x128xf32, #tpu.memory_space<hbm>> -> memref<10000x128xf32, #tpu.memory_space<hbm>>
    tpu.enqueue_indirect_dma source(%dma_start3A_39 : memref<10000x128xf32, #tpu.memory_space<hbm>>) target(%arg10 : memref<128x128xf32, #tpu.memory_space<vmem>>) offsets(%arg6 : memref<128xi32, #tpu.memory_space<vmem>>) semaphore(%arg16 : memref<!tpu.dma_semaphore, #tpu.memory_space<semaphore_mem>>)
    %add3A_40 = arith.constant 128 : i32
    %add3A_41 = arith.addi %mul3A_2, %add3A_40 : i32
    %dma_start3A_42 = arith.constant 0 : i32
    %dma_start3A_43 = tpu.memref_slice %arg3[%dma_start3A_42, %add3A_41] : memref<2x320000xi32, #tpu.memory_space<hbm>> -> memref<1x128xi32, #tpu.memory_space<hbm>>
    %dma_start3A_44 = tpu.memref_squeeze %dma_start3A_43 : memref<1x128xi32, #tpu.memory_space<hbm>> -> memref<128xi32, #tpu.memory_space<hbm>>
    %dma_start3A_45 = tpu.memref_slice %arg3[%dma_start3A_42, %add3A_41] : memref<2x320000xi32, #tpu.memory_space<hbm>> -> memref<1x128xi32, #tpu.memory_space<hbm>>
    %dma_start3A_46 = tpu.memref_squeeze %dma_start3A_45 : memref<1x128xi32, #tpu.memory_space<hbm>> -> memref<128xi32, #tpu.memory_space<hbm>>
    tpu.enqueue_dma source(%dma_start3A_46 : memref<128xi32, #tpu.memory_space<hbm>>) target(%arg7 : memref<128xi32, #tpu.memory_space<vmem>>) target_semaphore(%arg15 : memref<!tpu.dma_semaphore, #tpu.memory_space<semaphore_mem>>)
    %add3A_47 = arith.constant 128 : i32
    %add3A_48 = arith.addi %mul3A_2, %add3A_47 : i32
    %dma_start3A_49 = arith.constant 1 : i32
    %dma_start3A_50 = tpu.memref_slice %arg3[%dma_start3A_49, %add3A_48] : memref<2x320000xi32, #tpu.memory_space<hbm>> -> memref<1x128xi32, #tpu.memory_space<hbm>>
    %dma_start3A_51 = tpu.memref_squeeze %dma_start3A_50 : memref<1x128xi32, #tpu.memory_space<hbm>> -> memref<128xi32, #tpu.memory_space<hbm>>
    %dma_start3A_52 = tpu.memref_slice %arg3[%dma_start3A_49, %add3A_48] : memref<2x320000xi32, #tpu.memory_space<hbm>> -> memref<1x128xi32, #tpu.memory_space<hbm>>
    %dma_start3A_53 = tpu.memref_squeeze %dma_start3A_52 : memref<1x128xi32, #tpu.memory_space<hbm>> -> memref<128xi32, #tpu.memory_space<hbm>>
    tpu.enqueue_dma source(%dma_start3A_53 : memref<128xi32, #tpu.memory_space<hbm>>) target(%arg9 : memref<128xi32, #tpu.memory_space<vmem>>) target_semaphore(%arg15 : memref<!tpu.dma_semaphore, #tpu.memory_space<semaphore_mem>>)
    %scan3A_54 = arith.constant 0 : i32
    %scan3A_55 = arith.constant 0 : i32
    %scan3A_56 = arith.constant 39 : i32
    %scan3A_57 = arith.addi %scan3A_55, %scan3A_56 : i32
    %scan3A_58 = arith.constant 1 : i32
    scf.for %scan3A_83 = %scan3A_55 to %scan3A_57 step %scan3A_58  : i32 {
      %mul3A_84 = arith.constant 2 : i32
      %mul3A_85 = arith.muli %mul3A_84, %scan3A_83 : i32
      %dma_wait3A_86 = arith.constant 0 : i32
      %dma_wait3A_87 = arith.constant 0 : i32
      %dma_wait3A_88 = tpu.memref_slice %arg3[%dma_wait3A_86, %dma_wait3A_87] : memref<2x320000xi32, #tpu.memory_space<hbm>> -> memref<1x128xi32, #tpu.memory_space<hbm>>
      %dma_wait3A_89 = tpu.memref_squeeze %dma_wait3A_88 : memref<1x128xi32, #tpu.memory_space<hbm>> -> memref<128xi32, #tpu.memory_space<hbm>>
      %dma_wait3A_90 = arith.constant 0 : i32
      %dma_wait3A_91 = tpu.memref_slice %arg3[%dma_wait3A_86, %dma_wait3A_90] : memref<2x320000xi32, #tpu.memory_space<hbm>> -> memref<1x128xi32, #tpu.memory_space<hbm>>
      %dma_wait3A_92 = tpu.memref_squeeze %dma_wait3A_91 : memref<1x128xi32, #tpu.memory_space<hbm>> -> memref<128xi32, #tpu.memory_space<hbm>>
      tpu.wait_dma2 semaphore(%arg15 : memref<!tpu.dma_semaphore, #tpu.memory_space<semaphore_mem>>) src(%dma_wait3A_92 : memref<128xi32, #tpu.memory_space<hbm>>) dst(%arg7 : memref<128xi32, #tpu.memory_space<vmem>>)
      %dma_wait3A_93 = arith.constant 1 : i32
      %dma_wait3A_94 = arith.constant 0 : i32
      %dma_wait3A_95 = tpu.memref_slice %arg3[%dma_wait3A_93, %dma_wait3A_94] : memref<2x320000xi32, #tpu.memory_space<hbm>> -> memref<1x128xi32, #tpu.memory_space<hbm>>
      %dma_wait3A_96 = tpu.memref_squeeze %dma_wait3A_95 : memref<1x128xi32, #tpu.memory_space<hbm>> -> memref<128xi32, #tpu.memory_space<hbm>>
      %dma_wait3A_97 = arith.constant 0 : i32
      %dma_wait3A_98 = tpu.memref_slice %arg3[%dma_wait3A_93, %dma_wait3A_97] : memref<2x320000xi32, #tpu.memory_space<hbm>> -> memref<1x128xi32, #tpu.memory_space<hbm>>
      %dma_wait3A_99 = tpu.memref_squeeze %dma_wait3A_98 : memref<1x128xi32, #tpu.memory_space<hbm>> -> memref<128xi32, #tpu.memory_space<hbm>>
      tpu.wait_dma2 semaphore(%arg15 : memref<!tpu.dma_semaphore, #tpu.memory_space<semaphore_mem>>) src(%dma_wait3A_99 : memref<128xi32, #tpu.memory_space<hbm>>) dst(%arg9 : memref<128xi32, #tpu.memory_space<vmem>>)
      %dma_start3A_100 = arith.constant 0 : i32
      %dma_start3A_101 = arith.constant 0 : i32
      %dma_start3A_102 = tpu.memref_slice %arg2[%dma_start3A_100, %dma_start3A_101] : memref<10000x128xf32, #tpu.memory_space<hbm>> -> memref<10000x128xf32, #tpu.memory_space<hbm>>
      tpu.enqueue_indirect_dma source(%dma_start3A_102 : memref<10000x128xf32, #tpu.memory_space<hbm>>) target(%arg11 : memref<128x128xf32, #tpu.memory_space<vmem>>) offsets(%arg7 : memref<128xi32, #tpu.memory_space<vmem>>) semaphore(%arg17 : memref<!tpu.dma_semaphore, #tpu.memory_space<semaphore_mem>>)
      %dma_wait3A_103 = arith.constant 0 : i32
      %dma_wait3A_104 = arith.constant 0 : i32
      %dma_wait3A_105 = tpu.memref_slice %arg2[%dma_wait3A_103, %dma_wait3A_104] : memref<10000x128xf32, #tpu.memory_space<hbm>> -> memref<10000x128xf32, #tpu.memory_space<hbm>>
      tpu.wait_indirect_dma semaphore(%arg16 : memref<!tpu.dma_semaphore, #tpu.memory_space<semaphore_mem>>) src(%dma_wait3A_105 : memref<10000x128xf32, #tpu.memory_space<hbm>>) dst(%arg10 : memref<128x128xf32, #tpu.memory_space<vmem>>)
      %dma_start3A_106 = arith.constant 0 : i32
      %dma_start3A_107 = arith.constant 0 : i32
      %dma_start3A_108 = tpu.memref_slice %arg13[%dma_start3A_106, %dma_start3A_107] : memref<10240x128xf32, #tpu.memory_space<vmem_shared>> -> memref<10240x128xf32, #tpu.memory_space<vmem_shared>>
      tpu.enqueue_indirect_dma source(%arg10 : memref<128x128xf32, #tpu.memory_space<vmem>>) target(%dma_start3A_108 : memref<10240x128xf32, #tpu.memory_space<vmem_shared>>) offsets(%arg8 : memref<128xi32, #tpu.memory_space<vmem>>) semaphore(%arg18 : memref<!tpu.dma_semaphore, #tpu.memory_space<semaphore_mem>>) {add = true}
      %get3A = arith.constant 0 : index
      %get3A_109 = tpu.vector_load %arg8[%get3A] {strides = array<i32>} : memref<128xi32, #tpu.memory_space<vmem>>, vector<16xi32>,
      tpu.vector_store_idx %arg12[%get3A_109], %broadcast_in_dim3A_5 {add = true} : memref<10240xf32, #tpu.memory_space<vmem>>[vector<16xi32>], vector<16xf32>,
      %get3A_110 = arith.constant 16 : index
      %get3A_111 = tpu.vector_load %arg8[%get3A_110] {strides = array<i32>} : memref<128xi32, #tpu.memory_space<vmem>>, vector<16xi32>,
      tpu.vector_store_idx %arg12[%get3A_111], %broadcast_in_dim3A_5 {add = true} : memref<10240xf32, #tpu.memory_space<vmem>>[vector<16xi32>], vector<16xf32>,
      %get3A_112 = arith.constant 32 : index
      %get3A_113 = tpu.vector_load %arg8[%get3A_112] {strides = array<i32>} : memref<128xi32, #tpu.memory_space<vmem>>, vector<16xi32>,
      tpu.vector_store_idx %arg12[%get3A_113], %broadcast_in_dim3A_5 {add = true} : memref<10240xf32, #tpu.memory_space<vmem>>[vector<16xi32>], vector<16xf32>,
      %get3A_114 = arith.constant 48 : index
      %get3A_115 = tpu.vector_load %arg8[%get3A_114] {strides = array<i32>} : memref<128xi32, #tpu.memory_space<vmem>>, vector<16xi32>,
      tpu.vector_store_idx %arg12[%get3A_115], %broadcast_in_dim3A_5 {add = true} : memref<10240xf32, #tpu.memory_space<vmem>>[vector<16xi32>], vector<16xf32>,
      %get3A_116 = arith.constant 64 : index
      %get3A_117 = tpu.vector_load %arg8[%get3A_116] {strides = array<i32>} : memref<128xi32, #tpu.memory_space<vmem>>, vector<16xi32>,
      tpu.vector_store_idx %arg12[%get3A_117], %broadcast_in_dim3A_5 {add = true} : memref<10240xf32, #tpu.memory_space<vmem>>[vector<16xi32>], vector<16xf32>,
      %get3A_118 = arith.constant 80 : index
      %get3A_119 = tpu.vector_load %arg8[%get3A_118] {strides = array<i32>} : memref<128xi32, #tpu.memory_space<vmem>>, vector<16xi32>,
      tpu.vector_store_idx %arg12[%get3A_119], %broadcast_in_dim3A_5 {add = true} : memref<10240xf32, #tpu.memory_space<vmem>>[vector<16xi32>], vector<16xf32>,
      %get3A_120 = arith.constant 96 : index
      %get3A_121 = tpu.vector_load %arg8[%get3A_120] {strides = array<i32>} : memref<128xi32, #tpu.memory_space<vmem>>, vector<16xi32>,
      tpu.vector_store_idx %arg12[%get3A_121], %broadcast_in_dim3A_5 {add = true} : memref<10240xf32, #tpu.memory_space<vmem>>[vector<16xi32>], vector<16xf32>,
      %get3A_122 = arith.constant 112 : index
      %get3A_123 = tpu.vector_load %arg8[%get3A_122] {strides = array<i32>} : memref<128xi32, #tpu.memory_space<vmem>>, vector<16xi32>,
      tpu.vector_store_idx %arg12[%get3A_123], %broadcast_in_dim3A_5 {add = true} : memref<10240xf32, #tpu.memory_space<vmem>>[vector<16xi32>], vector<16xf32>,
      %dma_wait3A_124 = arith.constant 0 : i32
      %dma_wait3A_125 = arith.constant 0 : i32
      %dma_wait3A_126 = tpu.memref_slice %arg13[%dma_wait3A_124, %dma_wait3A_125] : memref<10240x128xf32, #tpu.memory_space<vmem_shared>> -> memref<10240x128xf32, #tpu.memory_space<vmem_shared>>
      tpu.wait_indirect_dma semaphore(%arg18 : memref<!tpu.dma_semaphore, #tpu.memory_space<semaphore_mem>>) src(%arg10 : memref<128x128xf32, #tpu.memory_space<vmem>>) dst(%dma_wait3A_126 : memref<10240x128xf32, #tpu.memory_space<vmem_shared>>)
      %add3A_127 = arith.constant 2 : i32
      %add3A_128 = arith.addi %mul3A_85, %add3A_127 : i32
      %mul3A_129 = arith.constant 128 : i32
      %mul3A_130 = arith.muli %add3A_128, %mul3A_129 : i32
      %add3A_131 = arith.addi %mul3A_2, %mul3A_130 : i32
      %dma_start3A_132 = arith.constant 0 : i32
      %dma_start3A_133 = tpu.memref_slice %arg3[%dma_start3A_132, %add3A_131] : memref<2x320000xi32, #tpu.memory_space<hbm>> -> memref<1x128xi32, #tpu.memory_space<hbm>>
      %dma_start3A_134 = tpu.memref_squeeze %dma_start3A_133 : memref<1x128xi32, #tpu.memory_space<hbm>> -> memref<128xi32, #tpu.memory_space<hbm>>
      %dma_start3A_135 = tpu.memref_slice %arg3[%dma_start3A_132, %add3A_131] : memref<2x320000xi32, #tpu.memory_space<hbm>> -> memref<1x128xi32, #tpu.memory_space<hbm>>
      %dma_start3A_136 = tpu.memref_squeeze %dma_start3A_135 : memref<1x128xi32, #tpu.memory_space<hbm>> -> memref<128xi32, #tpu.memory_space<hbm>>
      tpu.enqueue_dma source(%dma_start3A_136 : memref<128xi32, #tpu.memory_space<hbm>>) target(%arg6 : memref<128xi32, #tpu.memory_space<vmem>>) target_semaphore(%arg14 : memref<!tpu.dma_semaphore, #tpu.memory_space<semaphore_mem>>)
      %add3A_137 = arith.constant 2 : i32
      %add3A_138 = arith.addi %mul3A_85, %add3A_137 : i32
      %mul3A_139 = arith.constant 128 : i32
      %mul3A_140 = arith.muli %add3A_138, %mul3A_139 : i32
      %add3A_141 = arith.addi %mul3A_2, %mul3A_140 : i32
      %dma_start3A_142 = arith.constant 1 : i32
      %dma_start3A_143 = tpu.memref_slice %arg3[%dma_start3A_142, %add3A_141] : memref<2x320000xi32, #tpu.memory_space<hbm>> -> memref<1x128xi32, #tpu.memory_space<hbm>>
      %dma_start3A_144 = tpu.memref_squeeze %dma_start3A_143 : memref<1x128xi32, #tpu.memory_space<hbm>> -> memref<128xi32, #tpu.memory_space<hbm>>
      %dma_start3A_145 = tpu.memref_slice %arg3[%dma_start3A_142, %add3A_141] : memref<2x320000xi32, #tpu.memory_space<hbm>> -> memref<1x128xi32, #tpu.memory_space<hbm>>
      %dma_start3A_146 = tpu.memref_squeeze %dma_start3A_145 : memref<1x128xi32, #tpu.memory_space<hbm>> -> memref<128xi32, #tpu.memory_space<hbm>>
      tpu.enqueue_dma source(%dma_start3A_146 : memref<128xi32, #tpu.memory_space<hbm>>) target(%arg8 : memref<128xi32, #tpu.memory_space<vmem>>) target_semaphore(%arg14 : memref<!tpu.dma_semaphore, #tpu.memory_space<semaphore_mem>>)
      %mul3A_147 = arith.constant 2 : i32
      %mul3A_148 = arith.muli %mul3A_147, %scan3A_83 : i32
      %add3A_149 = arith.constant 1 : i32
      %add3A_150 = arith.addi %mul3A_148, %add3A_149 : i32
      %dma_wait3A_151 = arith.constant 0 : i32
      %dma_wait3A_152 = arith.constant 0 : i32
      %dma_wait3A_153 = tpu.memref_slice %arg3[%dma_wait3A_151, %dma_wait3A_152] : memref<2x320000xi32, #tpu.memory_space<hbm>> -> memref<1x128xi32, #tpu.memory_space<hbm>>
      %dma_wait3A_154 = tpu.memref_squeeze %dma_wait3A_153 : memref<1x128xi32, #tpu.memory_space<hbm>> -> memref<128xi32, #tpu.memory_space<hbm>>
      %dma_wait3A_155 = arith.constant 0 : i32
      %dma_wait3A_156 = tpu.memref_slice %arg3[%dma_wait3A_151, %dma_wait3A_155] : memref<2x320000xi32, #tpu.memory_space<hbm>> -> memref<1x128xi32, #tpu.memory_space<hbm>>
      %dma_wait3A_157 = tpu.memref_squeeze %dma_wait3A_156 : memref<1x128xi32, #tpu.memory_space<hbm>> -> memref<128xi32, #tpu.memory_space<hbm>>
      tpu.wait_dma2 semaphore(%arg14 : memref<!tpu.dma_semaphore, #tpu.memory_space<semaphore_mem>>) src(%dma_wait3A_157 : memref<128xi32, #tpu.memory_space<hbm>>) dst(%arg6 : memref<128xi32, #tpu.memory_space<vmem>>)
      %dma_wait3A_158 = arith.constant 1 : i32
      %dma_wait3A_159 = arith.constant 0 : i32
      %dma_wait3A_160 = tpu.memref_slice %arg3[%dma_wait3A_158, %dma_wait3A_159] : memref<2x320000xi32, #tpu.memory_space<hbm>> -> memref<1x128xi32, #tpu.memory_space<hbm>>
      %dma_wait3A_161 = tpu.memref_squeeze %dma_wait3A_160 : memref<1x128xi32, #tpu.memory_space<hbm>> -> memref<128xi32, #tpu.memory_space<hbm>>
      %dma_wait3A_162 = arith.constant 0 : i32
      %dma_wait3A_163 = tpu.memref_slice %arg3[%dma_wait3A_158, %dma_wait3A_162] : memref<2x320000xi32, #tpu.memory_space<hbm>> -> memref<1x128xi32, #tpu.memory_space<hbm>>
      %dma_wait3A_164 = tpu.memref_squeeze %dma_wait3A_163 : memref<1x128xi32, #tpu.memory_space<hbm>> -> memref<128xi32, #tpu.memory_space<hbm>>
      tpu.wait_dma2 semaphore(%arg14 : memref<!tpu.dma_semaphore, #tpu.memory_space<semaphore_mem>>) src(%dma_wait3A_164 : memref<128xi32, #tpu.memory_space<hbm>>) dst(%arg8 : memref<128xi32, #tpu.memory_space<vmem>>)
      %dma_start3A_165 = arith.constant 0 : i32
      %dma_start3A_166 = arith.constant 0 : i32
      %dma_start3A_167 = tpu.memref_slice %arg2[%dma_start3A_165, %dma_start3A_166] : memref<10000x128xf32, #tpu.memory_space<hbm>> -> memref<10000x128xf32, #tpu.memory_space<hbm>>
      tpu.enqueue_indirect_dma source(%dma_start3A_167 : memref<10000x128xf32, #tpu.memory_space<hbm>>) target(%arg10 : memref<128x128xf32, #tpu.memory_space<vmem>>) offsets(%arg6 : memref<128xi32, #tpu.memory_space<vmem>>) semaphore(%arg16 : memref<!tpu.dma_semaphore, #tpu.memory_space<semaphore_mem>>)
      %dma_wait3A_168 = arith.constant 0 : i32
      %dma_wait3A_169 = arith.constant 0 : i32
      %dma_wait3A_170 = tpu.memref_slice %arg2[%dma_wait3A_168, %dma_wait3A_169] : memref<10000x128xf32, #tpu.memory_space<hbm>> -> memref<10000x128xf32, #tpu.memory_space<hbm>>
      tpu.wait_indirect_dma semaphore(%arg17 : memref<!tpu.dma_semaphore, #tpu.memory_space<semaphore_mem>>) src(%dma_wait3A_170 : memref<10000x128xf32, #tpu.memory_space<hbm>>) dst(%arg11 : memref<128x128xf32, #tpu.memory_space<vmem>>)
      %dma_start3A_171 = arith.constant 0 : i32
      %dma_start3A_172 = arith.constant 0 : i32
      %dma_start3A_173 = tpu.memref_slice %arg13[%dma_start3A_171, %dma_start3A_172] : memref<10240x128xf32, #tpu.memory_space<vmem_shared>> -> memref<10240x128xf32, #tpu.memory_space<vmem_shared>>
      tpu.enqueue_indirect_dma source(%arg11 : memref<128x128xf32, #tpu.memory_space<vmem>>) target(%dma_start3A_173 : memref<10240x128xf32, #tpu.memory_space<vmem_shared>>) offsets(%arg9 : memref<128xi32, #tpu.memory_space<vmem>>) semaphore(%arg19 : memref<!tpu.dma_semaphore, #tpu.memory_space<semaphore_mem>>) {add = true}
      %get3A_174 = arith.constant 0 : index
      %get3A_175 = tpu.vector_load %arg9[%get3A_174] {strides = array<i32>} : memref<128xi32, #tpu.memory_space<vmem>>, vector<16xi32>,
      tpu.vector_store_idx %arg12[%get3A_175], %broadcast_in_dim3A_5 {add = true} : memref<10240xf32, #tpu.memory_space<vmem>>[vector<16xi32>], vector<16xf32>,
      %get3A_176 = arith.constant 16 : index
      %get3A_177 = tpu.vector_load %arg9[%get3A_176] {strides = array<i32>} : memref<128xi32, #tpu.memory_space<vmem>>, vector<16xi32>,
      tpu.vector_store_idx %arg12[%get3A_177], %broadcast_in_dim3A_5 {add = true} : memref<10240xf32, #tpu.memory_space<vmem>>[vector<16xi32>], vector<16xf32>,
      %get3A_178 = arith.constant 32 : index
      %get3A_179 = tpu.vector_load %arg9[%get3A_178] {strides = array<i32>} : memref<128xi32, #tpu.memory_space<vmem>>, vector<16xi32>,
      tpu.vector_store_idx %arg12[%get3A_179], %broadcast_in_dim3A_5 {add = true} : memref<10240xf32, #tpu.memory_space<vmem>>[vector<16xi32>], vector<16xf32>,
      %get3A_180 = arith.constant 48 : index
      %get3A_181 = tpu.vector_load %arg9[%get3A_180] {strides = array<i32>} : memref<128xi32, #tpu.memory_space<vmem>>, vector<16xi32>,
      tpu.vector_store_idx %arg12[%get3A_181], %broadcast_in_dim3A_5 {add = true} : memref<10240xf32, #tpu.memory_space<vmem>>[vector<16xi32>], vector<16xf32>,
      %get3A_182 = arith.constant 64 : index
      %get3A_183 = tpu.vector_load %arg9[%get3A_182] {strides = array<i32>} : memref<128xi32, #tpu.memory_space<vmem>>, vector<16xi32>,
      tpu.vector_store_idx %arg12[%get3A_183], %broadcast_in_dim3A_5 {add = true} : memref<10240xf32, #tpu.memory_space<vmem>>[vector<16xi32>], vector<16xf32>,
      %get3A_184 = arith.constant 80 : index
      %get3A_185 = tpu.vector_load %arg9[%get3A_184] {strides = array<i32>} : memref<128xi32, #tpu.memory_space<vmem>>, vector<16xi32>,
      tpu.vector_store_idx %arg12[%get3A_185], %broadcast_in_dim3A_5 {add = true} : memref<10240xf32, #tpu.memory_space<vmem>>[vector<16xi32>], vector<16xf32>,
      %get3A_186 = arith.constant 96 : index
      %get3A_187 = tpu.vector_load %arg9[%get3A_186] {strides = array<i32>} : memref<128xi32, #tpu.memory_space<vmem>>, vector<16xi32>,
      tpu.vector_store_idx %arg12[%get3A_187], %broadcast_in_dim3A_5 {add = true} : memref<10240xf32, #tpu.memory_space<vmem>>[vector<16xi32>], vector<16xf32>,
      %get3A_188 = arith.constant 112 : index
      %get3A_189 = tpu.vector_load %arg9[%get3A_188] {strides = array<i32>} : memref<128xi32, #tpu.memory_space<vmem>>, vector<16xi32>,
      tpu.vector_store_idx %arg12[%get3A_189], %broadcast_in_dim3A_5 {add = true} : memref<10240xf32, #tpu.memory_space<vmem>>[vector<16xi32>], vector<16xf32>,
      %dma_wait3A_190 = arith.constant 0 : i32
      %dma_wait3A_191 = arith.constant 0 : i32
      %dma_wait3A_192 = tpu.memref_slice %arg13[%dma_wait3A_190, %dma_wait3A_191] : memref<10240x128xf32, #tpu.memory_space<vmem_shared>> -> memref<10240x128xf32, #tpu.memory_space<vmem_shared>>
      tpu.wait_indirect_dma semaphore(%arg19 : memref<!tpu.dma_semaphore, #tpu.memory_space<semaphore_mem>>) src(%arg11 : memref<128x128xf32, #tpu.memory_space<vmem>>) dst(%dma_wait3A_192 : memref<10240x128xf32, #tpu.memory_space<vmem_shared>>)
      %add3A_193 = arith.constant 2 : i32
      %add3A_194 = arith.addi %add3A_150, %add3A_193 : i32
      %mul3A_195 = arith.constant 128 : i32
      %mul3A_196 = arith.muli %add3A_194, %mul3A_195 : i32
      %add3A_197 = arith.addi %mul3A_2, %mul3A_196 : i32
      %dma_start3A_198 = arith.constant 0 : i32
      %dma_start3A_199 = tpu.memref_slice %arg3[%dma_start3A_198, %add3A_197] : memref<2x320000xi32, #tpu.memory_space<hbm>> -> memref<1x128xi32, #tpu.memory_space<hbm>>
      %dma_start3A_200 = tpu.memref_squeeze %dma_start3A_199 : memref<1x128xi32, #tpu.memory_space<hbm>> -> memref<128xi32, #tpu.memory_space<hbm>>
      %dma_start3A_201 = tpu.memref_slice %arg3[%dma_start3A_198, %add3A_197] : memref<2x320000xi32, #tpu.memory_space<hbm>> -> memref<1x128xi32, #tpu.memory_space<hbm>>
      %dma_start3A_202 = tpu.memref_squeeze %dma_start3A_201 : memref<1x128xi32, #tpu.memory_space<hbm>> -> memref<128xi32, #tpu.memory_space<hbm>>
      tpu.enqueue_dma source(%dma_start3A_202 : memref<128xi32, #tpu.memory_space<hbm>>) target(%arg7 : memref<128xi32, #tpu.memory_space<vmem>>) target_semaphore(%arg15 : memref<!tpu.dma_semaphore, #tpu.memory_space<semaphore_mem>>)
      %add3A_203 = arith.constant 2 : i32
      %add3A_204 = arith.addi %add3A_150, %add3A_203 : i32
      %mul3A_205 = arith.constant 128 : i32
      %mul3A_206 = arith.muli %add3A_204, %mul3A_205 : i32
      %add3A_207 = arith.addi %mul3A_2, %mul3A_206 : i32
      %dma_start3A_208 = arith.constant 1 : i32
      %dma_start3A_209 = tpu.memref_slice %arg3[%dma_start3A_208, %add3A_207] : memref<2x320000xi32, #tpu.memory_space<hbm>> -> memref<1x128xi32, #tpu.memory_space<hbm>>
      %dma_start3A_210 = tpu.memref_squeeze %dma_start3A_209 : memref<1x128xi32, #tpu.memory_space<hbm>> -> memref<128xi32, #tpu.memory_space<hbm>>
      %dma_start3A_211 = tpu.memref_slice %arg3[%dma_start3A_208, %add3A_207] : memref<2x320000xi32, #tpu.memory_space<hbm>> -> memref<1x128xi32, #tpu.memory_space<hbm>>
      %dma_start3A_212 = tpu.memref_squeeze %dma_start3A_211 : memref<1x128xi32, #tpu.memory_space<hbm>> -> memref<128xi32, #tpu.memory_space<hbm>>
      tpu.enqueue_dma source(%dma_start3A_212 : memref<128xi32, #tpu.memory_space<hbm>>) target(%arg9 : memref<128xi32, #tpu.memory_space<vmem>>) target_semaphore(%arg15 : memref<!tpu.dma_semaphore, #tpu.memory_space<semaphore_mem>>)
    }
    %scan3A_59 = arith.constant 39 : i32
    %dma_wait3A = arith.constant 0 : i32
    %dma_wait3A_60 = arith.constant 0 : i32
    %dma_wait3A_61 = tpu.memref_slice %arg2[%dma_wait3A, %dma_wait3A_60] : memref<10000x128xf32, #tpu.memory_space<hbm>> -> memref<10000x128xf32, #tpu.memory_space<hbm>>
    tpu.wait_indirect_dma semaphore(%arg16 : memref<!tpu.dma_semaphore, #tpu.memory_space<semaphore_mem>>) src(%dma_wait3A_61 : memref<10000x128xf32, #tpu.memory_space<hbm>>) dst(%arg10 : memref<128x128xf32, #tpu.memory_space<vmem>>)
    %dma_wait3A_62 = arith.constant 0 : i32
    %dma_wait3A_63 = arith.constant 0 : i32
    %dma_wait3A_64 = tpu.memref_slice %arg3[%dma_wait3A_62, %dma_wait3A_63] : memref<2x320000xi32, #tpu.memory_space<hbm>> -> memref<1x128xi32, #tpu.memory_space<hbm>>
    %dma_wait3A_65 = tpu.memref_squeeze %dma_wait3A_64 : memref<1x128xi32, #tpu.memory_space<hbm>> -> memref<128xi32, #tpu.memory_space<hbm>>
    %dma_wait3A_66 = arith.constant 0 : i32
    %dma_wait3A_67 = tpu.memref_slice %arg3[%dma_wait3A_62, %dma_wait3A_66] : memref<2x320000xi32, #tpu.memory_space<hbm>> -> memref<1x128xi32, #tpu.memory_space<hbm>>
    %dma_wait3A_68 = tpu.memref_squeeze %dma_wait3A_67 : memref<1x128xi32, #tpu.memory_space<hbm>> -> memref<128xi32, #tpu.memory_space<hbm>>
    tpu.wait_dma2 semaphore(%arg15 : memref<!tpu.dma_semaphore, #tpu.memory_space<semaphore_mem>>) src(%dma_wait3A_68 : memref<128xi32, #tpu.memory_space<hbm>>) dst(%arg7 : memref<128xi32, #tpu.memory_space<vmem>>)
    %dma_wait3A_69 = arith.constant 1 : i32
    %dma_wait3A_70 = arith.constant 0 : i32
    %dma_wait3A_71 = tpu.memref_slice %arg3[%dma_wait3A_69, %dma_wait3A_70] : memref<2x320000xi32, #tpu.memory_space<hbm>> -> memref<1x128xi32, #tpu.memory_space<hbm>>
    %dma_wait3A_72 = tpu.memref_squeeze %dma_wait3A_71 : memref<1x128xi32, #tpu.memory_space<hbm>> -> memref<128xi32, #tpu.memory_space<hbm>>
    %dma_wait3A_73 = arith.constant 0 : i32
    %dma_wait3A_74 = tpu.memref_slice %arg3[%dma_wait3A_69, %dma_wait3A_73] : memref<2x320000xi32, #tpu.memory_space<hbm>> -> memref<1x128xi32, #tpu.memory_space<hbm>>
    %dma_wait3A_75 = tpu.memref_squeeze %dma_wait3A_74 : memref<1x128xi32, #tpu.memory_space<hbm>> -> memref<128xi32, #tpu.memory_space<hbm>>
    tpu.wait_dma2 semaphore(%arg15 : memref<!tpu.dma_semaphore, #tpu.memory_space<semaphore_mem>>) src(%dma_wait3A_75 : memref<128xi32, #tpu.memory_space<hbm>>) dst(%arg9 : memref<128xi32, #tpu.memory_space<vmem>>)
    %lt3A = arith.constant 4 : i32
    %lt3A_76 = arith.cmpi slt, %add3A, %lt3A : i32
    %convert_element_type3A = arith.extui %lt3A_76 : i1 to i32
    %cond3A = arith.constant 0 : i32
    %cond3A_77 = arith.cmpi ne, %convert_element_type3A, %cond3A : i32
    scf.if %cond3A_77 {
      %add3A_83 = arith.constant 2496 : i32
      %add3A_84 = arith.addi %add3A_83, %add3A : i32
      %mul3A_85 = arith.constant 128 : i32
      %mul3A_86 = arith.muli %add3A_84, %mul3A_85 : i32
      %run_scoped3A_87 = arith.constant 0 : i32
      "tpu.region"() ({
        %run_scoped3A_110 = tpu.sem_alloc : memref<!tpu.dma_semaphore, #tpu.memory_space<semaphore_mem>>
        %dma_start3A_111 = tpu.memref_slice %arg3[%run_scoped3A_87, %mul3A_86] : memref<2x320000xi32, #tpu.memory_space<hbm>> -> memref<1x128xi32, #tpu.memory_space<hbm>>
        %dma_start3A_112 = tpu.memref_squeeze %dma_start3A_111 : memref<1x128xi32, #tpu.memory_space<hbm>> -> memref<128xi32, #tpu.memory_space<hbm>>
        %dma_start3A_113 = tpu.memref_slice %arg3[%run_scoped3A_87, %mul3A_86] : memref<2x320000xi32, #tpu.memory_space<hbm>> -> memref<1x128xi32, #tpu.memory_space<hbm>>
        %dma_start3A_114 = tpu.memref_squeeze %dma_start3A_113 : memref<1x128xi32, #tpu.memory_space<hbm>> -> memref<128xi32, #tpu.memory_space<hbm>>
        tpu.enqueue_dma source(%dma_start3A_114 : memref<128xi32, #tpu.memory_space<hbm>>) target(%arg6 : memref<128xi32, #tpu.memory_space<vmem>>) target_semaphore(%run_scoped3A_110 : memref<!tpu.dma_semaphore, #tpu.memory_space<semaphore_mem>>)
        %dma_wait3A_115 = tpu.memref_slice %arg3[%run_scoped3A_87, %mul3A_86] : memref<2x320000xi32, #tpu.memory_space<hbm>> -> memref<1x128xi32, #tpu.memory_space<hbm>>
        %dma_wait3A_116 = tpu.memref_squeeze %dma_wait3A_115 : memref<1x128xi32, #tpu.memory_space<hbm>> -> memref<128xi32, #tpu.memory_space<hbm>>
        %dma_wait3A_117 = tpu.memref_slice %arg3[%run_scoped3A_87, %mul3A_86] : memref<2x320000xi32, #tpu.memory_space<hbm>> -> memref<1x128xi32, #tpu.memory_space<hbm>>
        %dma_wait3A_118 = tpu.memref_squeeze %dma_wait3A_117 : memref<1x128xi32, #tpu.memory_space<hbm>> -> memref<128xi32, #tpu.memory_space<hbm>>
        tpu.wait_dma2 semaphore(%run_scoped3A_110 : memref<!tpu.dma_semaphore, #tpu.memory_space<semaphore_mem>>) src(%dma_wait3A_118 : memref<128xi32, #tpu.memory_space<hbm>>) dst(%arg6 : memref<128xi32, #tpu.memory_space<vmem>>)
        tpu.yield
      }) : () -> ()
      %run_scoped3A_88 = arith.constant 1 : i32
      "tpu.region"() ({
        %run_scoped3A_110 = tpu.sem_alloc : memref<!tpu.dma_semaphore, #tpu.memory_space<semaphore_mem>>
        %dma_start3A_111 = tpu.memref_slice %arg3[%run_scoped3A_88, %mul3A_86] : memref<2x320000xi32, #tpu.memory_space<hbm>> -> memref<1x128xi32, #tpu.memory_space<hbm>>
        %dma_start3A_112 = tpu.memref_squeeze %dma_start3A_111 : memref<1x128xi32, #tpu.memory_space<hbm>> -> memref<128xi32, #tpu.memory_space<hbm>>
        %dma_start3A_113 = tpu.memref_slice %arg3[%run_scoped3A_88, %mul3A_86] : memref<2x320000xi32, #tpu.memory_space<hbm>> -> memref<1x128xi32, #tpu.memory_space<hbm>>
        %dma_start3A_114 = tpu.memref_squeeze %dma_start3A_113 : memref<1x128xi32, #tpu.memory_space<hbm>> -> memref<128xi32, #tpu.memory_space<hbm>>
        tpu.enqueue_dma source(%dma_start3A_114 : memref<128xi32, #tpu.memory_space<hbm>>) target(%arg8 : memref<128xi32, #tpu.memory_space<vmem>>) target_semaphore(%run_scoped3A_110 : memref<!tpu.dma_semaphore, #tpu.memory_space<semaphore_mem>>)
        %dma_wait3A_115 = tpu.memref_slice %arg3[%run_scoped3A_88, %mul3A_86] : memref<2x320000xi32, #tpu.memory_space<hbm>> -> memref<1x128xi32, #tpu.memory_space<hbm>>
        %dma_wait3A_116 = tpu.memref_squeeze %dma_wait3A_115 : memref<1x128xi32, #tpu.memory_space<hbm>> -> memref<128xi32, #tpu.memory_space<hbm>>
        %dma_wait3A_117 = tpu.memref_slice %arg3[%run_scoped3A_88, %mul3A_86] : memref<2x320000xi32, #tpu.memory_space<hbm>> -> memref<1x128xi32, #tpu.memory_space<hbm>>
        %dma_wait3A_118 = tpu.memref_squeeze %dma_wait3A_117 : memref<1x128xi32, #tpu.memory_space<hbm>> -> memref<128xi32, #tpu.memory_space<hbm>>
        tpu.wait_dma2 semaphore(%run_scoped3A_110 : memref<!tpu.dma_semaphore, #tpu.memory_space<semaphore_mem>>) src(%dma_wait3A_118 : memref<128xi32, #tpu.memory_space<hbm>>) dst(%arg8 : memref<128xi32, #tpu.memory_space<vmem>>)
        tpu.yield
      }) : () -> ()
      "tpu.region"() ({
        %run_scoped3A_110 = tpu.sem_alloc : memref<!tpu.dma_semaphore, #tpu.memory_space<semaphore_mem>>
        %dma_start3A_111 = arith.constant 0 : i32
        %dma_start3A_112 = arith.constant 0 : i32
        %dma_start3A_113 = tpu.memref_slice %arg2[%dma_start3A_111, %dma_start3A_112] : memref<10000x128xf32, #tpu.memory_space<hbm>> -> memref<10000x128xf32, #tpu.memory_space<hbm>>
        tpu.enqueue_indirect_dma source(%dma_start3A_113 : memref<10000x128xf32, #tpu.memory_space<hbm>>) target(%arg10 : memref<128x128xf32, #tpu.memory_space<vmem>>) offsets(%arg6 : memref<128xi32, #tpu.memory_space<vmem>>) semaphore(%run_scoped3A_110 : memref<!tpu.dma_semaphore, #tpu.memory_space<semaphore_mem>>)
        %dma_wait3A_114 = arith.constant 0 : i32
        %dma_wait3A_115 = arith.constant 0 : i32
        %dma_wait3A_116 = tpu.memref_slice %arg2[%dma_wait3A_114, %dma_wait3A_115] : memref<10000x128xf32, #tpu.memory_space<hbm>> -> memref<10000x128xf32, #tpu.memory_space<hbm>>
        tpu.wait_indirect_dma semaphore(%run_scoped3A_110 : memref<!tpu.dma_semaphore, #tpu.memory_space<semaphore_mem>>) src(%dma_wait3A_116 : memref<10000x128xf32, #tpu.memory_space<hbm>>) dst(%arg10 : memref<128x128xf32, #tpu.memory_space<vmem>>)
        tpu.yield
      }) : () -> ()
      %dma_start3A_89 = arith.constant 0 : i32
      %dma_start3A_90 = arith.constant 0 : i32
      %dma_start3A_91 = tpu.memref_slice %arg13[%dma_start3A_89, %dma_start3A_90] : memref<10240x128xf32, #tpu.memory_space<vmem_shared>> -> memref<10240x128xf32, #tpu.memory_space<vmem_shared>>
      tpu.enqueue_indirect_dma source(%arg10 : memref<128x128xf32, #tpu.memory_space<vmem>>) target(%dma_start3A_91 : memref<10240x128xf32, #tpu.memory_space<vmem_shared>>) offsets(%arg8 : memref<128xi32, #tpu.memory_space<vmem>>) semaphore(%arg18 : memref<!tpu.dma_semaphore, #tpu.memory_space<semaphore_mem>>) {add = true}
      %get3A = arith.constant 0 : index
      %get3A_92 = tpu.vector_load %arg8[%get3A] {strides = array<i32>} : memref<128xi32, #tpu.memory_space<vmem>>, vector<16xi32>,
      tpu.vector_store_idx %arg12[%get3A_92], %broadcast_in_dim3A_5 {add = true} : memref<10240xf32, #tpu.memory_space<vmem>>[vector<16xi32>], vector<16xf32>,
      %get3A_93 = arith.constant 16 : index
      %get3A_94 = tpu.vector_load %arg8[%get3A_93] {strides = array<i32>} : memref<128xi32, #tpu.memory_space<vmem>>, vector<16xi32>,
      tpu.vector_store_idx %arg12[%get3A_94], %broadcast_in_dim3A_5 {add = true} : memref<10240xf32, #tpu.memory_space<vmem>>[vector<16xi32>], vector<16xf32>,
      %get3A_95 = arith.constant 32 : index
      %get3A_96 = tpu.vector_load %arg8[%get3A_95] {strides = array<i32>} : memref<128xi32, #tpu.memory_space<vmem>>, vector<16xi32>,
      tpu.vector_store_idx %arg12[%get3A_96], %broadcast_in_dim3A_5 {add = true} : memref<10240xf32, #tpu.memory_space<vmem>>[vector<16xi32>], vector<16xf32>,
      %get3A_97 = arith.constant 48 : index
      %get3A_98 = tpu.vector_load %arg8[%get3A_97] {strides = array<i32>} : memref<128xi32, #tpu.memory_space<vmem>>, vector<16xi32>,
      tpu.vector_store_idx %arg12[%get3A_98], %broadcast_in_dim3A_5 {add = true} : memref<10240xf32, #tpu.memory_space<vmem>>[vector<16xi32>], vector<16xf32>,
      %get3A_99 = arith.constant 64 : index
      %get3A_100 = tpu.vector_load %arg8[%get3A_99] {strides = array<i32>} : memref<128xi32, #tpu.memory_space<vmem>>, vector<16xi32>,
      tpu.vector_store_idx %arg12[%get3A_100], %broadcast_in_dim3A_5 {add = true} : memref<10240xf32, #tpu.memory_space<vmem>>[vector<16xi32>], vector<16xf32>,
      %get3A_101 = arith.constant 80 : index
      %get3A_102 = tpu.vector_load %arg8[%get3A_101] {strides = array<i32>} : memref<128xi32, #tpu.memory_space<vmem>>, vector<16xi32>,
      tpu.vector_store_idx %arg12[%get3A_102], %broadcast_in_dim3A_5 {add = true} : memref<10240xf32, #tpu.memory_space<vmem>>[vector<16xi32>], vector<16xf32>,
      %get3A_103 = arith.constant 96 : index
      %get3A_104 = tpu.vector_load %arg8[%get3A_103] {strides = array<i32>} : memref<128xi32, #tpu.memory_space<vmem>>, vector<16xi32>,
      tpu.vector_store_idx %arg12[%get3A_104], %broadcast_in_dim3A_5 {add = true} : memref<10240xf32, #tpu.memory_space<vmem>>[vector<16xi32>], vector<16xf32>,
      %get3A_105 = arith.constant 112 : index
      %get3A_106 = tpu.vector_load %arg8[%get3A_105] {strides = array<i32>} : memref<128xi32, #tpu.memory_space<vmem>>, vector<16xi32>,
      tpu.vector_store_idx %arg12[%get3A_106], %broadcast_in_dim3A_5 {add = true} : memref<10240xf32, #tpu.memory_space<vmem>>[vector<16xi32>], vector<16xf32>,
      %dma_wait3A_107 = arith.constant 0 : i32
      %dma_wait3A_108 = arith.constant 0 : i32
      %dma_wait3A_109 = tpu.memref_slice %arg13[%dma_wait3A_107, %dma_wait3A_108] : memref<10240x128xf32, #tpu.memory_space<vmem_shared>> -> memref<10240x128xf32, #tpu.memory_space<vmem_shared>>
      tpu.wait_indirect_dma semaphore(%arg18 : memref<!tpu.dma_semaphore, #tpu.memory_space<semaphore_mem>>) src(%arg10 : memref<128x128xf32, #tpu.memory_space<vmem>>) dst(%dma_wait3A_109 : memref<10240x128xf32, #tpu.memory_space<vmem_shared>>)
    } else {
    }
    %barrier3A_78 = arith.constant 0 : index
    tpu.barrier barrier_id(%barrier3A_78)
    %mul3A_79 = arith.constant 640 : i32
    %mul3A_80 = arith.muli %arg1, %mul3A_79 : i32
    %mul3A_81 = arith.constant 640 : i32
    %mul3A_82 = arith.muli %arg1, %mul3A_81 : i32
    "tpu.region"() ({
      %run_scoped3A_83 = tpu.sem_alloc : memref<!tpu.dma_semaphore, #tpu.memory_space<semaphore_mem>>
      %dma_start3A_84 = arith.constant 0 : i32
      %dma_start3A_85 = tpu.memref_slice %arg4[%arg0, %mul3A_82, %dma_start3A_84] : memref<2x10240x128xf32, #tpu.memory_space<hbm>> -> memref<1x640x128xf32, #tpu.memory_space<hbm>>
      %dma_start3A_86 = tpu.memref_squeeze %dma_start3A_85 : memref<1x640x128xf32, #tpu.memory_space<hbm>> -> memref<640x128xf32, #tpu.memory_space<hbm>>
      %dma_start3A_87 = arith.constant 0 : i32
      %dma_start3A_88 = tpu.memref_slice %arg13[%mul3A_80, %dma_start3A_87] : memref<10240x128xf32, #tpu.memory_space<vmem_shared>> -> memref<640x128xf32, #tpu.memory_space<vmem_shared>>
      tpu.enqueue_dma source(%dma_start3A_88 : memref<640x128xf32, #tpu.memory_space<vmem_shared>>) target(%dma_start3A_86 : memref<640x128xf32, #tpu.memory_space<hbm>>) target_semaphore(%run_scoped3A_83 : memref<!tpu.dma_semaphore, #tpu.memory_space<semaphore_mem>>)
      %dma_wait3A_89 = arith.constant 0 : i32
      %dma_wait3A_90 = tpu.memref_slice %arg4[%arg0, %mul3A_82, %dma_wait3A_89] : memref<2x10240x128xf32, #tpu.memory_space<hbm>> -> memref<1x640x128xf32, #tpu.memory_space<hbm>>
      %dma_wait3A_91 = tpu.memref_squeeze %dma_wait3A_90 : memref<1x640x128xf32, #tpu.memory_space<hbm>> -> memref<640x128xf32, #tpu.memory_space<hbm>>
      %dma_wait3A_92 = arith.constant 0 : i32
      %dma_wait3A_93 = tpu.memref_slice %arg13[%mul3A_80, %dma_wait3A_92] : memref<10240x128xf32, #tpu.memory_space<vmem_shared>> -> memref<640x128xf32, #tpu.memory_space<vmem_shared>>
      tpu.wait_dma2 semaphore(%run_scoped3A_83 : memref<!tpu.dma_semaphore, #tpu.memory_space<semaphore_mem>>) src(%dma_wait3A_93 : memref<640x128xf32, #tpu.memory_space<vmem_shared>>) dst(%dma_wait3A_91 : memref<640x128xf32, #tpu.memory_space<hbm>>)
      tpu.yield
    }) : () -> ()
    "tpu.region"() ({
      %run_scoped3A_83 = tpu.sem_alloc : memref<!tpu.dma_semaphore, #tpu.memory_space<semaphore_mem>>
      %dma_start3A_84 = arith.constant 0 : i32
      %dma_start3A_85 = tpu.memref_slice %arg5[%arg0, %arg1, %dma_start3A_84] : memref<2x16x10240xf32, #tpu.memory_space<hbm>> -> memref<1x1x10240xf32, #tpu.memory_space<hbm>>
      %dma_start3A_86 = tpu.memref_squeeze %dma_start3A_85 : memref<1x1x10240xf32, #tpu.memory_space<hbm>> -> memref<10240xf32, #tpu.memory_space<hbm>>
      %dma_start3A_87 = arith.constant 0 : i32
      %dma_start3A_88 = tpu.memref_slice %arg5[%arg0, %arg1, %dma_start3A_87] : memref<2x16x10240xf32, #tpu.memory_space<hbm>> -> memref<1x1x10240xf32, #tpu.memory_space<hbm>>
      %dma_start3A_89 = tpu.memref_squeeze %dma_start3A_88 : memref<1x1x10240xf32, #tpu.memory_space<hbm>> -> memref<10240xf32, #tpu.memory_space<hbm>>
      tpu.enqueue_dma source(%arg12 : memref<10240xf32, #tpu.memory_space<vmem>>) target(%dma_start3A_89 : memref<10240xf32, #tpu.memory_space<hbm>>) target_semaphore(%run_scoped3A_83 : memref<!tpu.dma_semaphore, #tpu.memory_space<semaphore_mem>>)
      %dma_wait3A_90 = arith.constant 0 : i32
      %dma_wait3A_91 = tpu.memref_slice %arg5[%arg0, %arg1, %dma_wait3A_90] : memref<2x16x10240xf32, #tpu.memory_space<hbm>> -> memref<1x1x10240xf32, #tpu.memory_space<hbm>>
      %dma_wait3A_92 = tpu.memref_squeeze %dma_wait3A_91 : memref<1x1x10240xf32, #tpu.memory_space<hbm>> -> memref<10240xf32, #tpu.memory_space<hbm>>
      %dma_wait3A_93 = arith.constant 0 : i32
      %dma_wait3A_94 = tpu.memref_slice %arg5[%arg0, %arg1, %dma_wait3A_93] : memref<2x16x10240xf32, #tpu.memory_space<hbm>> -> memref<1x1x10240xf32, #tpu.memory_space<hbm>>
      %dma_wait3A_95 = tpu.memref_squeeze %dma_wait3A_94 : memref<1x1x10240xf32, #tpu.memory_space<hbm>> -> memref<10240xf32, #tpu.memory_space<hbm>>
      tpu.wait_dma2 semaphore(%run_scoped3A_83 : memref<!tpu.dma_semaphore, #tpu.memory_space<semaphore_mem>>) src(%arg12 : memref<10240xf32, #tpu.memory_space<vmem>>) dst(%dma_wait3A_95 : memref<10240xf32, #tpu.memory_space<hbm>>)
      tpu.yield
    }) : () -> ()
    return
  }
}

#map = affine_map<(d0, d1) -> (0, 0)>
#map1 = affine_map<(d0, d1) -> (0, 0, 0)>
module attributes {stable_mosaic.version = 14 : i64} {
  func.func @_sc_pass_body(%arg0: i32, %arg1: i32, %arg2: memref<10000x128xf32, #tpu.memory_space<hbm>>, %arg3: memref<2x320000xi32, #tpu.memory_space<hbm>>, %arg4: memref<2x10240x128xf32, #tpu.memory_space<hbm>>, %arg5: memref<2x16x10240xf32, #tpu.memory_space<hbm>>, %arg6: memref<128xi32, #tpu.memory_space<vmem>>, %arg7: memref<128xi32, #tpu.memory_space<vmem>>, %arg8: memref<128xi32, #tpu.memory_space<vmem>>, %arg9: memref<128xi32, #tpu.memory_space<vmem>>, %arg10: memref<128x128xf32, #tpu.memory_space<vmem>>, %arg11: memref<128x128xf32, #tpu.memory_space<vmem>>, %arg12: memref<10240xf32, #tpu.memory_space<vmem>>, %arg13: memref<10240x128xf32, #tpu.memory_space<vmem_shared>>, %arg14: memref<!tpu.dma_semaphore, #tpu.memory_space<semaphore_mem>>, %arg15: memref<!tpu.dma_semaphore, #tpu.memory_space<semaphore_mem>>, %arg16: memref<!tpu.dma_semaphore, #tpu.memory_space<semaphore_mem>>, %arg17: memref<!tpu.dma_semaphore, #tpu.memory_space<semaphore_mem>>, %arg18: memref<!tpu.dma_semaphore, #tpu.memory_space<semaphore_mem>>, %arg19: memref<!tpu.dma_semaphore, #tpu.memory_space<semaphore_mem>>) attributes {dimension_semantics = [#tpu.dimension_semantics<core_parallel>, #tpu.dimension_semantics<subcore_parallel>], iteration_bounds = array<i64: 2, 16>, scalar_prefetch = 0 : i64, scratch_operands = 14 : i64, tpu.core_type = #tpu.core_type<sc_vector_subcore>, window_params = [{transform_indices = #map}, {transform_indices = #map}, {transform_indices = #map1}, {transform_indices = #map1}]} {
    %mul3A = arith.constant 16 : i32
    %mul3A_0 = arith.muli %arg0, %mul3A : i32
    %add3A = arith.addi %mul3A_0, %arg1 : i32
    %mul3A_1 = arith.constant 9984 : i32
    %mul3A_2 = arith.muli %add3A, %mul3A_1 : i32
    %broadcast_in_dim3A = arith.constant 0.000000e+00 : f32
    %broadcast_in_dim3A_3 = vector.broadcast %broadcast_in_dim3A : f32 to vector<16xf32>
    %broadcast_in_dim3A_4 = arith.constant 1.000000e+00 : f32
    %broadcast_in_dim3A_5 = vector.broadcast %broadcast_in_dim3A_4 : f32 to vector<16xf32>
    %scan3A = arith.constant 0 : i32
    %scan3A_6 = arith.constant 0 : i32
    %scan3A_7 = arith.constant 128 : i32
    %scan3A_8 = arith.addi %scan3A_6, %scan3A_7 : i32
    %scan3A_9 = arith.constant 1 : i32
    scf.for %scan3A_83 = %scan3A_6 to %scan3A_8 step %scan3A_9  : i32 {
      %swap3A = arith.index_cast %scan3A_83 : i32 to index
      %swap3A_84 = arith.constant 0 : index
      %swap3A_85 = tpu.vector_load %arg10[%swap3A, %swap3A_84] {strides = array<i32>} : memref<128x128xf32, #tpu.memory_space<vmem>>, vector<16xf32>,
      tpu.vector_store %arg10[%swap3A, %swap3A_84], %broadcast_in_dim3A_3 {strides = array<i32>} : memref<128x128xf32, #tpu.memory_space<vmem>>, vector<16xf32>,
      %swap3A_86 = arith.index_cast %scan3A_83 : i32 to index
      %swap3A_87 = arith.constant 16 : index
      %swap3A_88 = tpu.vector_load %arg10[%swap3A_86, %swap3A_87] {strides = array<i32>} : memref<128x128xf32, #tpu.memory_space<vmem>>, vector<16xf32>,
      tpu.vector_store %arg10[%swap3A_86, %swap3A_87], %broadcast_in_dim3A_3 {strides = array<i32>} : memref<128x128xf32, #tpu.memory_space<vmem>>, vector<16xf32>,
      %swap3A_89 = arith.index_cast %scan3A_83 : i32 to index
      %swap3A_90 = arith.constant 32 : index
      %swap3A_91 = tpu.vector_load %arg10[%swap3A_89, %swap3A_90] {strides = array<i32>} : memref<128x128xf32, #tpu.memory_space<vmem>>, vector<16xf32>,
      tpu.vector_store %arg10[%swap3A_89, %swap3A_90], %broadcast_in_dim3A_3 {strides = array<i32>} : memref<128x128xf32, #tpu.memory_space<vmem>>, vector<16xf32>,
      %swap3A_92 = arith.index_cast %scan3A_83 : i32 to index
      %swap3A_93 = arith.constant 48 : index
      %swap3A_94 = tpu.vector_load %arg10[%swap3A_92, %swap3A_93] {strides = array<i32>} : memref<128x128xf32, #tpu.memory_space<vmem>>, vector<16xf32>,
      tpu.vector_store %arg10[%swap3A_92, %swap3A_93], %broadcast_in_dim3A_3 {strides = array<i32>} : memref<128x128xf32, #tpu.memory_space<vmem>>, vector<16xf32>,
      %swap3A_95 = arith.index_cast %scan3A_83 : i32 to index
      %swap3A_96 = arith.constant 64 : index
      %swap3A_97 = tpu.vector_load %arg10[%swap3A_95, %swap3A_96] {strides = array<i32>} : memref<128x128xf32, #tpu.memory_space<vmem>>, vector<16xf32>,
      tpu.vector_store %arg10[%swap3A_95, %swap3A_96], %broadcast_in_dim3A_3 {strides = array<i32>} : memref<128x128xf32, #tpu.memory_space<vmem>>, vector<16xf32>,
      %swap3A_98 = arith.index_cast %scan3A_83 : i32 to index
      %swap3A_99 = arith.constant 80 : index
      %swap3A_100 = tpu.vector_load %arg10[%swap3A_98, %swap3A_99] {strides = array<i32>} : memref<128x128xf32, #tpu.memory_space<vmem>>, vector<16xf32>,
      tpu.vector_store %arg10[%swap3A_98, %swap3A_99], %broadcast_in_dim3A_3 {strides = array<i32>} : memref<128x128xf32, #tpu.memory_space<vmem>>, vector<16xf32>,
      %swap3A_101 = arith.index_cast %scan3A_83 : i32 to index
      %swap3A_102 = arith.constant 96 : index
      %swap3A_103 = tpu.vector_load %arg10[%swap3A_101, %swap3A_102] {strides = array<i32>} : memref<128x128xf32, #tpu.memory_space<vmem>>, vector<16xf32>,
      tpu.vector_store %arg10[%swap3A_101, %swap3A_102], %broadcast_in_dim3A_3 {strides = array<i32>} : memref<128x128xf32, #tpu.memory_space<vmem>>, vector<16xf32>,
      %swap3A_104 = arith.index_cast %scan3A_83 : i32 to index
      %swap3A_105 = arith.constant 112 : index
      %swap3A_106 = tpu.vector_load %arg10[%swap3A_104, %swap3A_105] {strides = array<i32>} : memref<128x128xf32, #tpu.memory_space<vmem>>, vector<16xf32>,
      tpu.vector_store %arg10[%swap3A_104, %swap3A_105], %broadcast_in_dim3A_3 {strides = array<i32>} : memref<128x128xf32, #tpu.memory_space<vmem>>, vector<16xf32>,
    }
    %scan3A_10 = arith.constant 128 : i32
    %scan3A_11 = arith.constant 0 : i32
    %scan3A_12 = arith.constant 0 : i32
    %scan3A_13 = arith.constant 640 : i32
    %scan3A_14 = arith.addi %scan3A_12, %scan3A_13 : i32
    %scan3A_15 = arith.constant 1 : i32
    scf.for %scan3A_83 = %scan3A_12 to %scan3A_14 step %scan3A_15  : i32 {
      %mul3A_84 = arith.constant 16 : i32
      %mul3A_85 = arith.muli %scan3A_83, %mul3A_84 : i32
      %swap3A = arith.index_cast %mul3A_85 : i32 to index
      %swap3A_86 = tpu.vector_load %arg12[%swap3A] {strides = array<i32>} : memref<10240xf32, #tpu.memory_space<vmem>>, vector<16xf32>,
      tpu.vector_store %arg12[%swap3A], %broadcast_in_dim3A_3 {strides = array<i32>} : memref<10240xf32, #tpu.memory_space<vmem>>, vector<16xf32>,
    }
    %scan3A_16 = arith.constant 640 : i32
    %mul3A_17 = arith.constant 640 : i32
    %mul3A_18 = arith.muli %arg1, %mul3A_17 : i32
    %add3A_19 = arith.constant 0 : i32
    %add3A_20 = arith.addi %mul3A_18, %add3A_19 : i32
    "tpu.region"() ({
      %run_scoped3A_83 = tpu.sem_alloc : memref<!tpu.dma_semaphore, #tpu.memory_space<semaphore_mem>>
      %dma_start3A_84 = arith.constant 0 : i32
      %dma_start3A_85 = tpu.memref_slice %arg13[%add3A_20, %dma_start3A_84] : memref<10240x128xf32, #tpu.memory_space<vmem_shared>> -> memref<128x128xf32, #tpu.memory_space<vmem_shared>>
      %dma_start3A_86 = arith.constant 0 : i32
      %dma_start3A_87 = tpu.memref_slice %arg13[%add3A_20, %dma_start3A_86] : memref<10240x128xf32, #tpu.memory_space<vmem_shared>> -> memref<128x128xf32, #tpu.memory_space<vmem_shared>>
      tpu.enqueue_dma source(%arg10 : memref<128x128xf32, #tpu.memory_space<vmem>>) target(%dma_start3A_87 : memref<128x128xf32, #tpu.memory_space<vmem_shared>>) target_semaphore(%run_scoped3A_83 : memref<!tpu.dma_semaphore, #tpu.memory_space<semaphore_mem>>)
      %dma_wait3A_88 = arith.constant 0 : i32
      %dma_wait3A_89 = tpu.memref_slice %arg13[%add3A_20, %dma_wait3A_88] : memref<10240x128xf32, #tpu.memory_space<vmem_shared>> -> memref<128x128xf32, #tpu.memory_space<vmem_shared>>
      %dma_wait3A_90 = arith.constant 0 : i32
      %dma_wait3A_91 = tpu.memref_slice %arg13[%add3A_20, %dma_wait3A_90] : memref<10240x128xf32, #tpu.memory_space<vmem_shared>> -> memref<128x128xf32, #tpu.memory_space<vmem_shared>>
      tpu.wait_dma2 semaphore(%run_scoped3A_83 : memref<!tpu.dma_semaphore, #tpu.memory_space<semaphore_mem>>) src(%arg10 : memref<128x128xf32, #tpu.memory_space<vmem>>) dst(%dma_wait3A_91 : memref<128x128xf32, #tpu.memory_space<vmem_shared>>)
      tpu.yield
    }) : () -> ()
    %mul3A_21 = arith.constant 640 : i32
    %mul3A_22 = arith.muli %arg1, %mul3A_21 : i32
    %add3A_23 = arith.constant 128 : i32
    %add3A_24 = arith.addi %mul3A_22, %add3A_23 : i32
    "tpu.region"() ({
      %run_scoped3A_83 = tpu.sem_alloc : memref<!tpu.dma_semaphore, #tpu.memory_space<semaphore_mem>>
      %dma_start3A_84 = arith.constant 0 : i32
      %dma_start3A_85 = tpu.memref_slice %arg13[%add3A_24, %dma_start3A_84] : memref<10240x128xf32, #tpu.memory_space<vmem_shared>> -> memref<128x128xf32, #tpu.memory_space<vmem_shared>>
      %dma_start3A_86 = arith.constant 0 : i32
      %dma_start3A_87 = tpu.memref_slice %arg13[%add3A_24, %dma_start3A_86] : memref<10240x128xf32, #tpu.memory_space<vmem_shared>> -> memref<128x128xf32, #tpu.memory_space<vmem_shared>>
      tpu.enqueue_dma source(%arg10 : memref<128x128xf32, #tpu.memory_space<vmem>>) target(%dma_start3A_87 : memref<128x128xf32, #tpu.memory_space<vmem_shared>>) target_semaphore(%run_scoped3A_83 : memref<!tpu.dma_semaphore, #tpu.memory_space<semaphore_mem>>)
      %dma_wait3A_88 = arith.constant 0 : i32
      %dma_wait3A_89 = tpu.memref_slice %arg13[%add3A_24, %dma_wait3A_88] : memref<10240x128xf32, #tpu.memory_space<vmem_shared>> -> memref<128x128xf32, #tpu.memory_space<vmem_shared>>
      %dma_wait3A_90 = arith.constant 0 : i32
      %dma_wait3A_91 = tpu.memref_slice %arg13[%add3A_24, %dma_wait3A_90] : memref<10240x128xf32, #tpu.memory_space<vmem_shared>> -> memref<128x128xf32, #tpu.memory_space<vmem_shared>>
      tpu.wait_dma2 semaphore(%run_scoped3A_83 : memref<!tpu.dma_semaphore, #tpu.memory_space<semaphore_mem>>) src(%arg10 : memref<128x128xf32, #tpu.memory_space<vmem>>) dst(%dma_wait3A_91 : memref<128x128xf32, #tpu.memory_space<vmem_shared>>)
      tpu.yield
    }) : () -> ()
    %mul3A_25 = arith.constant 640 : i32
    %mul3A_26 = arith.muli %arg1, %mul3A_25 : i32
    %add3A_27 = arith.constant 256 : i32
    %add3A_28 = arith.addi %mul3A_26, %add3A_27 : i32
    "tpu.region"() ({
      %run_scoped3A_83 = tpu.sem_alloc : memref<!tpu.dma_semaphore, #tpu.memory_space<semaphore_mem>>
      %dma_start3A_84 = arith.constant 0 : i32
      %dma_start3A_85 = tpu.memref_slice %arg13[%add3A_28, %dma_start3A_84] : memref<10240x128xf32, #tpu.memory_space<vmem_shared>> -> memref<128x128xf32, #tpu.memory_space<vmem_shared>>
      %dma_start3A_86 = arith.constant 0 : i32
      %dma_start3A_87 = tpu.memref_slice %arg13[%add3A_28, %dma_start3A_86] : memref<10240x128xf32, #tpu.memory_space<vmem_shared>> -> memref<128x128xf32, #tpu.memory_space<vmem_shared>>
      tpu.enqueue_dma source(%arg10 : memref<128x128xf32, #tpu.memory_space<vmem>>) target(%dma_start3A_87 : memref<128x128xf32, #tpu.memory_space<vmem_shared>>) target_semaphore(%run_scoped3A_83 : memref<!tpu.dma_semaphore, #tpu.memory_space<semaphore_mem>>)
      %dma_wait3A_88 = arith.constant 0 : i32
      %dma_wait3A_89 = tpu.memref_slice %arg13[%add3A_28, %dma_wait3A_88] : memref<10240x128xf32, #tpu.memory_space<vmem_shared>> -> memref<128x128xf32, #tpu.memory_space<vmem_shared>>
      %dma_wait3A_90 = arith.constant 0 : i32
      %dma_wait3A_91 = tpu.memref_slice %arg13[%add3A_28, %dma_wait3A_90] : memref<10240x128xf32, #tpu.memory_space<vmem_shared>> -> memref<128x128xf32, #tpu.memory_space<vmem_shared>>
      tpu.wait_dma2 semaphore(%run_scoped3A_83 : memref<!tpu.dma_semaphore, #tpu.memory_space<semaphore_mem>>) src(%arg10 : memref<128x128xf32, #tpu.memory_space<vmem>>) dst(%dma_wait3A_91 : memref<128x128xf32, #tpu.memory_space<vmem_shared>>)
      tpu.yield
    }) : () -> ()
    %mul3A_29 = arith.constant 640 : i32
    %mul3A_30 = arith.muli %arg1, %mul3A_29 : i32
    %add3A_31 = arith.constant 384 : i32
    %add3A_32 = arith.addi %mul3A_30, %add3A_31 : i32
    "tpu.region"() ({
      %run_scoped3A_83 = tpu.sem_alloc : memref<!tpu.dma_semaphore, #tpu.memory_space<semaphore_mem>>
      %dma_start3A_84 = arith.constant 0 : i32
      %dma_start3A_85 = tpu.memref_slice %arg13[%add3A_32, %dma_start3A_84] : memref<10240x128xf32, #tpu.memory_space<vmem_shared>> -> memref<128x128xf32, #tpu.memory_space<vmem_shared>>
      %dma_start3A_86 = arith.constant 0 : i32
      %dma_start3A_87 = tpu.memref_slice %arg13[%add3A_32, %dma_start3A_86] : memref<10240x128xf32, #tpu.memory_space<vmem_shared>> -> memref<128x128xf32, #tpu.memory_space<vmem_shared>>
      tpu.enqueue_dma source(%arg10 : memref<128x128xf32, #tpu.memory_space<vmem>>) target(%dma_start3A_87 : memref<128x128xf32, #tpu.memory_space<vmem_shared>>) target_semaphore(%run_scoped3A_83 : memref<!tpu.dma_semaphore, #tpu.memory_space<semaphore_mem>>)
      %dma_wait3A_88 = arith.constant 0 : i32
      %dma_wait3A_89 = tpu.memref_slice %arg13[%add3A_32, %dma_wait3A_88] : memref<10240x128xf32, #tpu.memory_space<vmem_shared>> -> memref<128x128xf32, #tpu.memory_space<vmem_shared>>
      %dma_wait3A_90 = arith.constant 0 : i32
      %dma_wait3A_91 = tpu.memref_slice %arg13[%add3A_32, %dma_wait3A_90] : memref<10240x128xf32, #tpu.memory_space<vmem_shared>> -> memref<128x128xf32, #tpu.memory_space<vmem_shared>>
      tpu.wait_dma2 semaphore(%run_scoped3A_83 : memref<!tpu.dma_semaphore, #tpu.memory_space<semaphore_mem>>) src(%arg10 : memref<128x128xf32, #tpu.memory_space<vmem>>) dst(%dma_wait3A_91 : memref<128x128xf32, #tpu.memory_space<vmem_shared>>)
      tpu.yield
    }) : () -> ()
    %mul3A_33 = arith.constant 640 : i32
    %mul3A_34 = arith.muli %arg1, %mul3A_33 : i32
    %add3A_35 = arith.constant 512 : i32
    %add3A_36 = arith.addi %mul3A_34, %add3A_35 : i32
    "tpu.region"() ({
      %run_scoped3A_83 = tpu.sem_alloc : memref<!tpu.dma_semaphore, #tpu.memory_space<semaphore_mem>>
      %dma_start3A_84 = arith.constant 0 : i32
      %dma_start3A_85 = tpu.memref_slice %arg13[%add3A_36, %dma_start3A_84] : memref<10240x128xf32, #tpu.memory_space<vmem_shared>> -> memref<128x128xf32, #tpu.memory_space<vmem_shared>>
      %dma_start3A_86 = arith.constant 0 : i32
      %dma_start3A_87 = tpu.memref_slice %arg13[%add3A_36, %dma_start3A_86] : memref<10240x128xf32, #tpu.memory_space<vmem_shared>> -> memref<128x128xf32, #tpu.memory_space<vmem_shared>>
      tpu.enqueue_dma source(%arg10 : memref<128x128xf32, #tpu.memory_space<vmem>>) target(%dma_start3A_87 : memref<128x128xf32, #tpu.memory_space<vmem_shared>>) target_semaphore(%run_scoped3A_83 : memref<!tpu.dma_semaphore, #tpu.memory_space<semaphore_mem>>)
      %dma_wait3A_88 = arith.constant 0 : i32
      %dma_wait3A_89 = tpu.memref_slice %arg13[%add3A_36, %dma_wait3A_88] : memref<10240x128xf32, #tpu.memory_space<vmem_shared>> -> memref<128x128xf32, #tpu.memory_space<vmem_shared>>
      %dma_wait3A_90 = arith.constant 0 : i32
      %dma_wait3A_91 = tpu.memref_slice %arg13[%add3A_36, %dma_wait3A_90] : memref<10240x128xf32, #tpu.memory_space<vmem_shared>> -> memref<128x128xf32, #tpu.memory_space<vmem_shared>>
      tpu.wait_dma2 semaphore(%run_scoped3A_83 : memref<!tpu.dma_semaphore, #tpu.memory_space<semaphore_mem>>) src(%arg10 : memref<128x128xf32, #tpu.memory_space<vmem>>) dst(%dma_wait3A_91 : memref<128x128xf32, #tpu.memory_space<vmem_shared>>)
      tpu.yield
    }) : () -> ()
    %barrier3A = arith.constant 0 : index
    tpu.barrier barrier_id(%barrier3A)
    %run_scoped3A = arith.constant 1 : i32
    "tpu.region"() ({
      %run_scoped3A_83 = tpu.sem_alloc : memref<!tpu.dma_semaphore, #tpu.memory_space<semaphore_mem>>
      %dma_start3A_84 = tpu.memref_slice %arg3[%run_scoped3A, %mul3A_2] : memref<2x320000xi32, #tpu.memory_space<hbm>> -> memref<1x128xi32, #tpu.memory_space<hbm>>
      %dma_start3A_85 = tpu.memref_squeeze %dma_start3A_84 : memref<1x128xi32, #tpu.memory_space<hbm>> -> memref<128xi32, #tpu.memory_space<hbm>>
      %dma_start3A_86 = tpu.memref_slice %arg3[%run_scoped3A, %mul3A_2] : memref<2x320000xi32, #tpu.memory_space<hbm>> -> memref<1x128xi32, #tpu.memory_space<hbm>>
      %dma_start3A_87 = tpu.memref_squeeze %dma_start3A_86 : memref<1x128xi32, #tpu.memory_space<hbm>> -> memref<128xi32, #tpu.memory_space<hbm>>
      tpu.enqueue_dma source(%dma_start3A_87 : memref<128xi32, #tpu.memory_space<hbm>>) target(%arg6 : memref<128xi32, #tpu.memory_space<vmem>>) target_semaphore(%run_scoped3A_83 : memref<!tpu.dma_semaphore, #tpu.memory_space<semaphore_mem>>)
      %dma_wait3A_88 = tpu.memref_slice %arg3[%run_scoped3A, %mul3A_2] : memref<2x320000xi32, #tpu.memory_space<hbm>> -> memref<1x128xi32, #tpu.memory_space<hbm>>
      %dma_wait3A_89 = tpu.memref_squeeze %dma_wait3A_88 : memref<1x128xi32, #tpu.memory_space<hbm>> -> memref<128xi32, #tpu.memory_space<hbm>>
      %dma_wait3A_90 = tpu.memref_slice %arg3[%run_scoped3A, %mul3A_2] : memref<2x320000xi32, #tpu.memory_space<hbm>> -> memref<1x128xi32, #tpu.memory_space<hbm>>
      %dma_wait3A_91 = tpu.memref_squeeze %dma_wait3A_90 : memref<1x128xi32, #tpu.memory_space<hbm>> -> memref<128xi32, #tpu.memory_space<hbm>>
      tpu.wait_dma2 semaphore(%run_scoped3A_83 : memref<!tpu.dma_semaphore, #tpu.memory_space<semaphore_mem>>) src(%dma_wait3A_91 : memref<128xi32, #tpu.memory_space<hbm>>) dst(%arg6 : memref<128xi32, #tpu.memory_space<vmem>>)
      tpu.yield
    }) : () -> ()
    %run_scoped3A_37 = arith.constant 0 : i32
    "tpu.region"() ({
      %run_scoped3A_83 = tpu.sem_alloc : memref<!tpu.dma_semaphore, #tpu.memory_space<semaphore_mem>>
      %dma_start3A_84 = tpu.memref_slice %arg3[%run_scoped3A_37, %mul3A_2] : memref<2x320000xi32, #tpu.memory_space<hbm>> -> memref<1x128xi32, #tpu.memory_space<hbm>>
      %dma_start3A_85 = tpu.memref_squeeze %dma_start3A_84 : memref<1x128xi32, #tpu.memory_space<hbm>> -> memref<128xi32, #tpu.memory_space<hbm>>
      %dma_start3A_86 = tpu.memref_slice %arg3[%run_scoped3A_37, %mul3A_2] : memref<2x320000xi32, #tpu.memory_space<hbm>> -> memref<1x128xi32, #tpu.memory_space<hbm>>
      %dma_start3A_87 = tpu.memref_squeeze %dma_start3A_86 : memref<1x128xi32, #tpu.memory_space<hbm>> -> memref<128xi32, #tpu.memory_space<hbm>>
      tpu.enqueue_dma source(%dma_start3A_87 : memref<128xi32, #tpu.memory_space<hbm>>) target(%arg8 : memref<128xi32, #tpu.memory_space<vmem>>) target_semaphore(%run_scoped3A_83 : memref<!tpu.dma_semaphore, #tpu.memory_space<semaphore_mem>>)
      %dma_wait3A_88 = tpu.memref_slice %arg3[%run_scoped3A_37, %mul3A_2] : memref<2x320000xi32, #tpu.memory_space<hbm>> -> memref<1x128xi32, #tpu.memory_space<hbm>>
      %dma_wait3A_89 = tpu.memref_squeeze %dma_wait3A_88 : memref<1x128xi32, #tpu.memory_space<hbm>> -> memref<128xi32, #tpu.memory_space<hbm>>
      %dma_wait3A_90 = tpu.memref_slice %arg3[%run_scoped3A_37, %mul3A_2] : memref<2x320000xi32, #tpu.memory_space<hbm>> -> memref<1x128xi32, #tpu.memory_space<hbm>>
      %dma_wait3A_91 = tpu.memref_squeeze %dma_wait3A_90 : memref<1x128xi32, #tpu.memory_space<hbm>> -> memref<128xi32, #tpu.memory_space<hbm>>
      tpu.wait_dma2 semaphore(%run_scoped3A_83 : memref<!tpu.dma_semaphore, #tpu.memory_space<semaphore_mem>>) src(%dma_wait3A_91 : memref<128xi32, #tpu.memory_space<hbm>>) dst(%arg8 : memref<128xi32, #tpu.memory_space<vmem>>)
      tpu.yield
    }) : () -> ()
    %dma_start3A = arith.constant 0 : i32
    %dma_start3A_38 = arith.constant 0 : i32
    %dma_start3A_39 = tpu.memref_slice %arg2[%dma_start3A, %dma_start3A_38] : memref<10000x128xf32, #tpu.memory_space<hbm>> -> memref<10000x128xf32, #tpu.memory_space<hbm>>
    tpu.enqueue_indirect_dma source(%dma_start3A_39 : memref<10000x128xf32, #tpu.memory_space<hbm>>) target(%arg10 : memref<128x128xf32, #tpu.memory_space<vmem>>) offsets(%arg6 : memref<128xi32, #tpu.memory_space<vmem>>) semaphore(%arg16 : memref<!tpu.dma_semaphore, #tpu.memory_space<semaphore_mem>>)
    %add3A_40 = arith.constant 128 : i32
    %add3A_41 = arith.addi %mul3A_2, %add3A_40 : i32
    %dma_start3A_42 = arith.constant 1 : i32
    %dma_start3A_43 = tpu.memref_slice %arg3[%dma_start3A_42, %add3A_41] : memref<2x320000xi32, #tpu.memory_space<hbm>> -> memref<1x128xi32, #tpu.memory_space<hbm>>
    %dma_start3A_44 = tpu.memref_squeeze %dma_start3A_43 : memref<1x128xi32, #tpu.memory_space<hbm>> -> memref<128xi32, #tpu.memory_space<hbm>>
    %dma_start3A_45 = tpu.memref_slice %arg3[%dma_start3A_42, %add3A_41] : memref<2x320000xi32, #tpu.memory_space<hbm>> -> memref<1x128xi32, #tpu.memory_space<hbm>>
    %dma_start3A_46 = tpu.memref_squeeze %dma_start3A_45 : memref<1x128xi32, #tpu.memory_space<hbm>> -> memref<128xi32, #tpu.memory_space<hbm>>
    tpu.enqueue_dma source(%dma_start3A_46 : memref<128xi32, #tpu.memory_space<hbm>>) target(%arg7 : memref<128xi32, #tpu.memory_space<vmem>>) target_semaphore(%arg15 : memref<!tpu.dma_semaphore, #tpu.memory_space<semaphore_mem>>)
    %add3A_47 = arith.constant 128 : i32
    %add3A_48 = arith.addi %mul3A_2, %add3A_47 : i32
    %dma_start3A_49 = arith.constant 0 : i32
    %dma_start3A_50 = tpu.memref_slice %arg3[%dma_start3A_49, %add3A_48] : memref<2x320000xi32, #tpu.memory_space<hbm>> -> memref<1x128xi32, #tpu.memory_space<hbm>>
    %dma_start3A_51 = tpu.memref_squeeze %dma_start3A_50 : memref<1x128xi32, #tpu.memory_space<hbm>> -> memref<128xi32, #tpu.memory_space<hbm>>
    %dma_start3A_52 = tpu.memref_slice %arg3[%dma_start3A_49, %add3A_48] : memref<2x320000xi32, #tpu.memory_space<hbm>> -> memref<1x128xi32, #tpu.memory_space<hbm>>
    %dma_start3A_53 = tpu.memref_squeeze %dma_start3A_52 : memref<1x128xi32, #tpu.memory_space<hbm>> -> memref<128xi32, #tpu.memory_space<hbm>>
    tpu.enqueue_dma source(%dma_start3A_53 : memref<128xi32, #tpu.memory_space<hbm>>) target(%arg9 : memref<128xi32, #tpu.memory_space<vmem>>) target_semaphore(%arg15 : memref<!tpu.dma_semaphore, #tpu.memory_space<semaphore_mem>>)
    %scan3A_54 = arith.constant 0 : i32
    %scan3A_55 = arith.constant 0 : i32
    %scan3A_56 = arith.constant 39 : i32
    %scan3A_57 = arith.addi %scan3A_55, %scan3A_56 : i32
    %scan3A_58 = arith.constant 1 : i32
    scf.for %scan3A_83 = %scan3A_55 to %scan3A_57 step %scan3A_58  : i32 {
      %mul3A_84 = arith.constant 2 : i32
      %mul3A_85 = arith.muli %mul3A_84, %scan3A_83 : i32
      %dma_wait3A_86 = arith.constant 1 : i32
      %dma_wait3A_87 = arith.constant 0 : i32
      %dma_wait3A_88 = tpu.memref_slice %arg3[%dma_wait3A_86, %dma_wait3A_87] : memref<2x320000xi32, #tpu.memory_space<hbm>> -> memref<1x128xi32, #tpu.memory_space<hbm>>
      %dma_wait3A_89 = tpu.memref_squeeze %dma_wait3A_88 : memref<1x128xi32, #tpu.memory_space<hbm>> -> memref<128xi32, #tpu.memory_space<hbm>>
      %dma_wait3A_90 = arith.constant 0 : i32
      %dma_wait3A_91 = tpu.memref_slice %arg3[%dma_wait3A_86, %dma_wait3A_90] : memref<2x320000xi32, #tpu.memory_space<hbm>> -> memref<1x128xi32, #tpu.memory_space<hbm>>
      %dma_wait3A_92 = tpu.memref_squeeze %dma_wait3A_91 : memref<1x128xi32, #tpu.memory_space<hbm>> -> memref<128xi32, #tpu.memory_space<hbm>>
      tpu.wait_dma2 semaphore(%arg15 : memref<!tpu.dma_semaphore, #tpu.memory_space<semaphore_mem>>) src(%dma_wait3A_92 : memref<128xi32, #tpu.memory_space<hbm>>) dst(%arg7 : memref<128xi32, #tpu.memory_space<vmem>>)
      %dma_wait3A_93 = arith.constant 0 : i32
      %dma_wait3A_94 = arith.constant 0 : i32
      %dma_wait3A_95 = tpu.memref_slice %arg3[%dma_wait3A_93, %dma_wait3A_94] : memref<2x320000xi32, #tpu.memory_space<hbm>> -> memref<1x128xi32, #tpu.memory_space<hbm>>
      %dma_wait3A_96 = tpu.memref_squeeze %dma_wait3A_95 : memref<1x128xi32, #tpu.memory_space<hbm>> -> memref<128xi32, #tpu.memory_space<hbm>>
      %dma_wait3A_97 = arith.constant 0 : i32
      %dma_wait3A_98 = tpu.memref_slice %arg3[%dma_wait3A_93, %dma_wait3A_97] : memref<2x320000xi32, #tpu.memory_space<hbm>> -> memref<1x128xi32, #tpu.memory_space<hbm>>
      %dma_wait3A_99 = tpu.memref_squeeze %dma_wait3A_98 : memref<1x128xi32, #tpu.memory_space<hbm>> -> memref<128xi32, #tpu.memory_space<hbm>>
      tpu.wait_dma2 semaphore(%arg15 : memref<!tpu.dma_semaphore, #tpu.memory_space<semaphore_mem>>) src(%dma_wait3A_99 : memref<128xi32, #tpu.memory_space<hbm>>) dst(%arg9 : memref<128xi32, #tpu.memory_space<vmem>>)
      %dma_start3A_100 = arith.constant 0 : i32
      %dma_start3A_101 = arith.constant 0 : i32
      %dma_start3A_102 = tpu.memref_slice %arg2[%dma_start3A_100, %dma_start3A_101] : memref<10000x128xf32, #tpu.memory_space<hbm>> -> memref<10000x128xf32, #tpu.memory_space<hbm>>
      tpu.enqueue_indirect_dma source(%dma_start3A_102 : memref<10000x128xf32, #tpu.memory_space<hbm>>) target(%arg11 : memref<128x128xf32, #tpu.memory_space<vmem>>) offsets(%arg7 : memref<128xi32, #tpu.memory_space<vmem>>) semaphore(%arg17 : memref<!tpu.dma_semaphore, #tpu.memory_space<semaphore_mem>>)
      %dma_wait3A_103 = arith.constant 0 : i32
      %dma_wait3A_104 = arith.constant 0 : i32
      %dma_wait3A_105 = tpu.memref_slice %arg2[%dma_wait3A_103, %dma_wait3A_104] : memref<10000x128xf32, #tpu.memory_space<hbm>> -> memref<10000x128xf32, #tpu.memory_space<hbm>>
      tpu.wait_indirect_dma semaphore(%arg16 : memref<!tpu.dma_semaphore, #tpu.memory_space<semaphore_mem>>) src(%dma_wait3A_105 : memref<10000x128xf32, #tpu.memory_space<hbm>>) dst(%arg10 : memref<128x128xf32, #tpu.memory_space<vmem>>)
      %dma_start3A_106 = arith.constant 0 : i32
      %dma_start3A_107 = arith.constant 0 : i32
      %dma_start3A_108 = tpu.memref_slice %arg13[%dma_start3A_106, %dma_start3A_107] : memref<10240x128xf32, #tpu.memory_space<vmem_shared>> -> memref<10240x128xf32, #tpu.memory_space<vmem_shared>>
      tpu.enqueue_indirect_dma source(%arg10 : memref<128x128xf32, #tpu.memory_space<vmem>>) target(%dma_start3A_108 : memref<10240x128xf32, #tpu.memory_space<vmem_shared>>) offsets(%arg8 : memref<128xi32, #tpu.memory_space<vmem>>) semaphore(%arg18 : memref<!tpu.dma_semaphore, #tpu.memory_space<semaphore_mem>>) {add = true}
      %get3A = arith.constant 0 : index
      %get3A_109 = tpu.vector_load %arg8[%get3A] {strides = array<i32>} : memref<128xi32, #tpu.memory_space<vmem>>, vector<16xi32>,
      tpu.vector_store_idx %arg12[%get3A_109], %broadcast_in_dim3A_5 {add = true} : memref<10240xf32, #tpu.memory_space<vmem>>[vector<16xi32>], vector<16xf32>,
      %get3A_110 = arith.constant 16 : index
      %get3A_111 = tpu.vector_load %arg8[%get3A_110] {strides = array<i32>} : memref<128xi32, #tpu.memory_space<vmem>>, vector<16xi32>,
      tpu.vector_store_idx %arg12[%get3A_111], %broadcast_in_dim3A_5 {add = true} : memref<10240xf32, #tpu.memory_space<vmem>>[vector<16xi32>], vector<16xf32>,
      %get3A_112 = arith.constant 32 : index
      %get3A_113 = tpu.vector_load %arg8[%get3A_112] {strides = array<i32>} : memref<128xi32, #tpu.memory_space<vmem>>, vector<16xi32>,
      tpu.vector_store_idx %arg12[%get3A_113], %broadcast_in_dim3A_5 {add = true} : memref<10240xf32, #tpu.memory_space<vmem>>[vector<16xi32>], vector<16xf32>,
      %get3A_114 = arith.constant 48 : index
      %get3A_115 = tpu.vector_load %arg8[%get3A_114] {strides = array<i32>} : memref<128xi32, #tpu.memory_space<vmem>>, vector<16xi32>,
      tpu.vector_store_idx %arg12[%get3A_115], %broadcast_in_dim3A_5 {add = true} : memref<10240xf32, #tpu.memory_space<vmem>>[vector<16xi32>], vector<16xf32>,
      %get3A_116 = arith.constant 64 : index
      %get3A_117 = tpu.vector_load %arg8[%get3A_116] {strides = array<i32>} : memref<128xi32, #tpu.memory_space<vmem>>, vector<16xi32>,
      tpu.vector_store_idx %arg12[%get3A_117], %broadcast_in_dim3A_5 {add = true} : memref<10240xf32, #tpu.memory_space<vmem>>[vector<16xi32>], vector<16xf32>,
      %get3A_118 = arith.constant 80 : index
      %get3A_119 = tpu.vector_load %arg8[%get3A_118] {strides = array<i32>} : memref<128xi32, #tpu.memory_space<vmem>>, vector<16xi32>,
      tpu.vector_store_idx %arg12[%get3A_119], %broadcast_in_dim3A_5 {add = true} : memref<10240xf32, #tpu.memory_space<vmem>>[vector<16xi32>], vector<16xf32>,
      %get3A_120 = arith.constant 96 : index
      %get3A_121 = tpu.vector_load %arg8[%get3A_120] {strides = array<i32>} : memref<128xi32, #tpu.memory_space<vmem>>, vector<16xi32>,
      tpu.vector_store_idx %arg12[%get3A_121], %broadcast_in_dim3A_5 {add = true} : memref<10240xf32, #tpu.memory_space<vmem>>[vector<16xi32>], vector<16xf32>,
      %get3A_122 = arith.constant 112 : index
      %get3A_123 = tpu.vector_load %arg8[%get3A_122] {strides = array<i32>} : memref<128xi32, #tpu.memory_space<vmem>>, vector<16xi32>,
      tpu.vector_store_idx %arg12[%get3A_123], %broadcast_in_dim3A_5 {add = true} : memref<10240xf32, #tpu.memory_space<vmem>>[vector<16xi32>], vector<16xf32>,
      %dma_wait3A_124 = arith.constant 0 : i32
      %dma_wait3A_125 = arith.constant 0 : i32
      %dma_wait3A_126 = tpu.memref_slice %arg13[%dma_wait3A_124, %dma_wait3A_125] : memref<10240x128xf32, #tpu.memory_space<vmem_shared>> -> memref<10240x128xf32, #tpu.memory_space<vmem_shared>>
      tpu.wait_indirect_dma semaphore(%arg18 : memref<!tpu.dma_semaphore, #tpu.memory_space<semaphore_mem>>) src(%arg10 : memref<128x128xf32, #tpu.memory_space<vmem>>) dst(%dma_wait3A_126 : memref<10240x128xf32, #tpu.memory_space<vmem_shared>>)
      %add3A_127 = arith.constant 2 : i32
      %add3A_128 = arith.addi %mul3A_85, %add3A_127 : i32
      %mul3A_129 = arith.constant 128 : i32
      %mul3A_130 = arith.muli %add3A_128, %mul3A_129 : i32
      %add3A_131 = arith.addi %mul3A_2, %mul3A_130 : i32
      %dma_start3A_132 = arith.constant 1 : i32
      %dma_start3A_133 = tpu.memref_slice %arg3[%dma_start3A_132, %add3A_131] : memref<2x320000xi32, #tpu.memory_space<hbm>> -> memref<1x128xi32, #tpu.memory_space<hbm>>
      %dma_start3A_134 = tpu.memref_squeeze %dma_start3A_133 : memref<1x128xi32, #tpu.memory_space<hbm>> -> memref<128xi32, #tpu.memory_space<hbm>>
      %dma_start3A_135 = tpu.memref_slice %arg3[%dma_start3A_132, %add3A_131] : memref<2x320000xi32, #tpu.memory_space<hbm>> -> memref<1x128xi32, #tpu.memory_space<hbm>>
      %dma_start3A_136 = tpu.memref_squeeze %dma_start3A_135 : memref<1x128xi32, #tpu.memory_space<hbm>> -> memref<128xi32, #tpu.memory_space<hbm>>
      tpu.enqueue_dma source(%dma_start3A_136 : memref<128xi32, #tpu.memory_space<hbm>>) target(%arg6 : memref<128xi32, #tpu.memory_space<vmem>>) target_semaphore(%arg14 : memref<!tpu.dma_semaphore, #tpu.memory_space<semaphore_mem>>)
      %add3A_137 = arith.constant 2 : i32
      %add3A_138 = arith.addi %mul3A_85, %add3A_137 : i32
      %mul3A_139 = arith.constant 128 : i32
      %mul3A_140 = arith.muli %add3A_138, %mul3A_139 : i32
      %add3A_141 = arith.addi %mul3A_2, %mul3A_140 : i32
      %dma_start3A_142 = arith.constant 0 : i32
      %dma_start3A_143 = tpu.memref_slice %arg3[%dma_start3A_142, %add3A_141] : memref<2x320000xi32, #tpu.memory_space<hbm>> -> memref<1x128xi32, #tpu.memory_space<hbm>>
      %dma_start3A_144 = tpu.memref_squeeze %dma_start3A_143 : memref<1x128xi32, #tpu.memory_space<hbm>> -> memref<128xi32, #tpu.memory_space<hbm>>
      %dma_start3A_145 = tpu.memref_slice %arg3[%dma_start3A_142, %add3A_141] : memref<2x320000xi32, #tpu.memory_space<hbm>> -> memref<1x128xi32, #tpu.memory_space<hbm>>
      %dma_start3A_146 = tpu.memref_squeeze %dma_start3A_145 : memref<1x128xi32, #tpu.memory_space<hbm>> -> memref<128xi32, #tpu.memory_space<hbm>>
      tpu.enqueue_dma source(%dma_start3A_146 : memref<128xi32, #tpu.memory_space<hbm>>) target(%arg8 : memref<128xi32, #tpu.memory_space<vmem>>) target_semaphore(%arg14 : memref<!tpu.dma_semaphore, #tpu.memory_space<semaphore_mem>>)
      %mul3A_147 = arith.constant 2 : i32
      %mul3A_148 = arith.muli %mul3A_147, %scan3A_83 : i32
      %add3A_149 = arith.constant 1 : i32
      %add3A_150 = arith.addi %mul3A_148, %add3A_149 : i32
      %dma_wait3A_151 = arith.constant 1 : i32
      %dma_wait3A_152 = arith.constant 0 : i32
      %dma_wait3A_153 = tpu.memref_slice %arg3[%dma_wait3A_151, %dma_wait3A_152] : memref<2x320000xi32, #tpu.memory_space<hbm>> -> memref<1x128xi32, #tpu.memory_space<hbm>>
      %dma_wait3A_154 = tpu.memref_squeeze %dma_wait3A_153 : memref<1x128xi32, #tpu.memory_space<hbm>> -> memref<128xi32, #tpu.memory_space<hbm>>
      %dma_wait3A_155 = arith.constant 0 : i32
      %dma_wait3A_156 = tpu.memref_slice %arg3[%dma_wait3A_151, %dma_wait3A_155] : memref<2x320000xi32, #tpu.memory_space<hbm>> -> memref<1x128xi32, #tpu.memory_space<hbm>>
      %dma_wait3A_157 = tpu.memref_squeeze %dma_wait3A_156 : memref<1x128xi32, #tpu.memory_space<hbm>> -> memref<128xi32, #tpu.memory_space<hbm>>
      tpu.wait_dma2 semaphore(%arg14 : memref<!tpu.dma_semaphore, #tpu.memory_space<semaphore_mem>>) src(%dma_wait3A_157 : memref<128xi32, #tpu.memory_space<hbm>>) dst(%arg6 : memref<128xi32, #tpu.memory_space<vmem>>)
      %dma_wait3A_158 = arith.constant 0 : i32
      %dma_wait3A_159 = arith.constant 0 : i32
      %dma_wait3A_160 = tpu.memref_slice %arg3[%dma_wait3A_158, %dma_wait3A_159] : memref<2x320000xi32, #tpu.memory_space<hbm>> -> memref<1x128xi32, #tpu.memory_space<hbm>>
      %dma_wait3A_161 = tpu.memref_squeeze %dma_wait3A_160 : memref<1x128xi32, #tpu.memory_space<hbm>> -> memref<128xi32, #tpu.memory_space<hbm>>
      %dma_wait3A_162 = arith.constant 0 : i32
      %dma_wait3A_163 = tpu.memref_slice %arg3[%dma_wait3A_158, %dma_wait3A_162] : memref<2x320000xi32, #tpu.memory_space<hbm>> -> memref<1x128xi32, #tpu.memory_space<hbm>>
      %dma_wait3A_164 = tpu.memref_squeeze %dma_wait3A_163 : memref<1x128xi32, #tpu.memory_space<hbm>> -> memref<128xi32, #tpu.memory_space<hbm>>
      tpu.wait_dma2 semaphore(%arg14 : memref<!tpu.dma_semaphore, #tpu.memory_space<semaphore_mem>>) src(%dma_wait3A_164 : memref<128xi32, #tpu.memory_space<hbm>>) dst(%arg8 : memref<128xi32, #tpu.memory_space<vmem>>)
      %dma_start3A_165 = arith.constant 0 : i32
      %dma_start3A_166 = arith.constant 0 : i32
      %dma_start3A_167 = tpu.memref_slice %arg2[%dma_start3A_165, %dma_start3A_166] : memref<10000x128xf32, #tpu.memory_space<hbm>> -> memref<10000x128xf32, #tpu.memory_space<hbm>>
      tpu.enqueue_indirect_dma source(%dma_start3A_167 : memref<10000x128xf32, #tpu.memory_space<hbm>>) target(%arg10 : memref<128x128xf32, #tpu.memory_space<vmem>>) offsets(%arg6 : memref<128xi32, #tpu.memory_space<vmem>>) semaphore(%arg16 : memref<!tpu.dma_semaphore, #tpu.memory_space<semaphore_mem>>)
      %dma_wait3A_168 = arith.constant 0 : i32
      %dma_wait3A_169 = arith.constant 0 : i32
      %dma_wait3A_170 = tpu.memref_slice %arg2[%dma_wait3A_168, %dma_wait3A_169] : memref<10000x128xf32, #tpu.memory_space<hbm>> -> memref<10000x128xf32, #tpu.memory_space<hbm>>
      tpu.wait_indirect_dma semaphore(%arg17 : memref<!tpu.dma_semaphore, #tpu.memory_space<semaphore_mem>>) src(%dma_wait3A_170 : memref<10000x128xf32, #tpu.memory_space<hbm>>) dst(%arg11 : memref<128x128xf32, #tpu.memory_space<vmem>>)
      %dma_start3A_171 = arith.constant 0 : i32
      %dma_start3A_172 = arith.constant 0 : i32
      %dma_start3A_173 = tpu.memref_slice %arg13[%dma_start3A_171, %dma_start3A_172] : memref<10240x128xf32, #tpu.memory_space<vmem_shared>> -> memref<10240x128xf32, #tpu.memory_space<vmem_shared>>
      tpu.enqueue_indirect_dma source(%arg11 : memref<128x128xf32, #tpu.memory_space<vmem>>) target(%dma_start3A_173 : memref<10240x128xf32, #tpu.memory_space<vmem_shared>>) offsets(%arg9 : memref<128xi32, #tpu.memory_space<vmem>>) semaphore(%arg19 : memref<!tpu.dma_semaphore, #tpu.memory_space<semaphore_mem>>) {add = true}
      %get3A_174 = arith.constant 0 : index
      %get3A_175 = tpu.vector_load %arg9[%get3A_174] {strides = array<i32>} : memref<128xi32, #tpu.memory_space<vmem>>, vector<16xi32>,
      tpu.vector_store_idx %arg12[%get3A_175], %broadcast_in_dim3A_5 {add = true} : memref<10240xf32, #tpu.memory_space<vmem>>[vector<16xi32>], vector<16xf32>,
      %get3A_176 = arith.constant 16 : index
      %get3A_177 = tpu.vector_load %arg9[%get3A_176] {strides = array<i32>} : memref<128xi32, #tpu.memory_space<vmem>>, vector<16xi32>,
      tpu.vector_store_idx %arg12[%get3A_177], %broadcast_in_dim3A_5 {add = true} : memref<10240xf32, #tpu.memory_space<vmem>>[vector<16xi32>], vector<16xf32>,
      %get3A_178 = arith.constant 32 : index
      %get3A_179 = tpu.vector_load %arg9[%get3A_178] {strides = array<i32>} : memref<128xi32, #tpu.memory_space<vmem>>, vector<16xi32>,
      tpu.vector_store_idx %arg12[%get3A_179], %broadcast_in_dim3A_5 {add = true} : memref<10240xf32, #tpu.memory_space<vmem>>[vector<16xi32>], vector<16xf32>,
      %get3A_180 = arith.constant 48 : index
      %get3A_181 = tpu.vector_load %arg9[%get3A_180] {strides = array<i32>} : memref<128xi32, #tpu.memory_space<vmem>>, vector<16xi32>,
      tpu.vector_store_idx %arg12[%get3A_181], %broadcast_in_dim3A_5 {add = true} : memref<10240xf32, #tpu.memory_space<vmem>>[vector<16xi32>], vector<16xf32>,
      %get3A_182 = arith.constant 64 : index
      %get3A_183 = tpu.vector_load %arg9[%get3A_182] {strides = array<i32>} : memref<128xi32, #tpu.memory_space<vmem>>, vector<16xi32>,
      tpu.vector_store_idx %arg12[%get3A_183], %broadcast_in_dim3A_5 {add = true} : memref<10240xf32, #tpu.memory_space<vmem>>[vector<16xi32>], vector<16xf32>,
      %get3A_184 = arith.constant 80 : index
      %get3A_185 = tpu.vector_load %arg9[%get3A_184] {strides = array<i32>} : memref<128xi32, #tpu.memory_space<vmem>>, vector<16xi32>,
      tpu.vector_store_idx %arg12[%get3A_185], %broadcast_in_dim3A_5 {add = true} : memref<10240xf32, #tpu.memory_space<vmem>>[vector<16xi32>], vector<16xf32>,
      %get3A_186 = arith.constant 96 : index
      %get3A_187 = tpu.vector_load %arg9[%get3A_186] {strides = array<i32>} : memref<128xi32, #tpu.memory_space<vmem>>, vector<16xi32>,
      tpu.vector_store_idx %arg12[%get3A_187], %broadcast_in_dim3A_5 {add = true} : memref<10240xf32, #tpu.memory_space<vmem>>[vector<16xi32>], vector<16xf32>,
      %get3A_188 = arith.constant 112 : index
      %get3A_189 = tpu.vector_load %arg9[%get3A_188] {strides = array<i32>} : memref<128xi32, #tpu.memory_space<vmem>>, vector<16xi32>,
      tpu.vector_store_idx %arg12[%get3A_189], %broadcast_in_dim3A_5 {add = true} : memref<10240xf32, #tpu.memory_space<vmem>>[vector<16xi32>], vector<16xf32>,
      %dma_wait3A_190 = arith.constant 0 : i32
      %dma_wait3A_191 = arith.constant 0 : i32
      %dma_wait3A_192 = tpu.memref_slice %arg13[%dma_wait3A_190, %dma_wait3A_191] : memref<10240x128xf32, #tpu.memory_space<vmem_shared>> -> memref<10240x128xf32, #tpu.memory_space<vmem_shared>>
      tpu.wait_indirect_dma semaphore(%arg19 : memref<!tpu.dma_semaphore, #tpu.memory_space<semaphore_mem>>) src(%arg11 : memref<128x128xf32, #tpu.memory_space<vmem>>) dst(%dma_wait3A_192 : memref<10240x128xf32, #tpu.memory_space<vmem_shared>>)
      %add3A_193 = arith.constant 2 : i32
      %add3A_194 = arith.addi %add3A_150, %add3A_193 : i32
      %mul3A_195 = arith.constant 128 : i32
      %mul3A_196 = arith.muli %add3A_194, %mul3A_195 : i32
      %add3A_197 = arith.addi %mul3A_2, %mul3A_196 : i32
      %dma_start3A_198 = arith.constant 1 : i32
      %dma_start3A_199 = tpu.memref_slice %arg3[%dma_start3A_198, %add3A_197] : memref<2x320000xi32, #tpu.memory_space<hbm>> -> memref<1x128xi32, #tpu.memory_space<hbm>>
      %dma_start3A_200 = tpu.memref_squeeze %dma_start3A_199 : memref<1x128xi32, #tpu.memory_space<hbm>> -> memref<128xi32, #tpu.memory_space<hbm>>
      %dma_start3A_201 = tpu.memref_slice %arg3[%dma_start3A_198, %add3A_197] : memref<2x320000xi32, #tpu.memory_space<hbm>> -> memref<1x128xi32, #tpu.memory_space<hbm>>
      %dma_start3A_202 = tpu.memref_squeeze %dma_start3A_201 : memref<1x128xi32, #tpu.memory_space<hbm>> -> memref<128xi32, #tpu.memory_space<hbm>>
      tpu.enqueue_dma source(%dma_start3A_202 : memref<128xi32, #tpu.memory_space<hbm>>) target(%arg7 : memref<128xi32, #tpu.memory_space<vmem>>) target_semaphore(%arg15 : memref<!tpu.dma_semaphore, #tpu.memory_space<semaphore_mem>>)
      %add3A_203 = arith.constant 2 : i32
      %add3A_204 = arith.addi %add3A_150, %add3A_203 : i32
      %mul3A_205 = arith.constant 128 : i32
      %mul3A_206 = arith.muli %add3A_204, %mul3A_205 : i32
      %add3A_207 = arith.addi %mul3A_2, %mul3A_206 : i32
      %dma_start3A_208 = arith.constant 0 : i32
      %dma_start3A_209 = tpu.memref_slice %arg3[%dma_start3A_208, %add3A_207] : memref<2x320000xi32, #tpu.memory_space<hbm>> -> memref<1x128xi32, #tpu.memory_space<hbm>>
      %dma_start3A_210 = tpu.memref_squeeze %dma_start3A_209 : memref<1x128xi32, #tpu.memory_space<hbm>> -> memref<128xi32, #tpu.memory_space<hbm>>
      %dma_start3A_211 = tpu.memref_slice %arg3[%dma_start3A_208, %add3A_207] : memref<2x320000xi32, #tpu.memory_space<hbm>> -> memref<1x128xi32, #tpu.memory_space<hbm>>
      %dma_start3A_212 = tpu.memref_squeeze %dma_start3A_211 : memref<1x128xi32, #tpu.memory_space<hbm>> -> memref<128xi32, #tpu.memory_space<hbm>>
      tpu.enqueue_dma source(%dma_start3A_212 : memref<128xi32, #tpu.memory_space<hbm>>) target(%arg9 : memref<128xi32, #tpu.memory_space<vmem>>) target_semaphore(%arg15 : memref<!tpu.dma_semaphore, #tpu.memory_space<semaphore_mem>>)
    }
    %scan3A_59 = arith.constant 39 : i32
    %dma_wait3A = arith.constant 0 : i32
    %dma_wait3A_60 = arith.constant 0 : i32
    %dma_wait3A_61 = tpu.memref_slice %arg2[%dma_wait3A, %dma_wait3A_60] : memref<10000x128xf32, #tpu.memory_space<hbm>> -> memref<10000x128xf32, #tpu.memory_space<hbm>>
    tpu.wait_indirect_dma semaphore(%arg16 : memref<!tpu.dma_semaphore, #tpu.memory_space<semaphore_mem>>) src(%dma_wait3A_61 : memref<10000x128xf32, #tpu.memory_space<hbm>>) dst(%arg10 : memref<128x128xf32, #tpu.memory_space<vmem>>)
    %dma_wait3A_62 = arith.constant 1 : i32
    %dma_wait3A_63 = arith.constant 0 : i32
    %dma_wait3A_64 = tpu.memref_slice %arg3[%dma_wait3A_62, %dma_wait3A_63] : memref<2x320000xi32, #tpu.memory_space<hbm>> -> memref<1x128xi32, #tpu.memory_space<hbm>>
    %dma_wait3A_65 = tpu.memref_squeeze %dma_wait3A_64 : memref<1x128xi32, #tpu.memory_space<hbm>> -> memref<128xi32, #tpu.memory_space<hbm>>
    %dma_wait3A_66 = arith.constant 0 : i32
    %dma_wait3A_67 = tpu.memref_slice %arg3[%dma_wait3A_62, %dma_wait3A_66] : memref<2x320000xi32, #tpu.memory_space<hbm>> -> memref<1x128xi32, #tpu.memory_space<hbm>>
    %dma_wait3A_68 = tpu.memref_squeeze %dma_wait3A_67 : memref<1x128xi32, #tpu.memory_space<hbm>> -> memref<128xi32, #tpu.memory_space<hbm>>
    tpu.wait_dma2 semaphore(%arg15 : memref<!tpu.dma_semaphore, #tpu.memory_space<semaphore_mem>>) src(%dma_wait3A_68 : memref<128xi32, #tpu.memory_space<hbm>>) dst(%arg7 : memref<128xi32, #tpu.memory_space<vmem>>)
    %dma_wait3A_69 = arith.constant 0 : i32
    %dma_wait3A_70 = arith.constant 0 : i32
    %dma_wait3A_71 = tpu.memref_slice %arg3[%dma_wait3A_69, %dma_wait3A_70] : memref<2x320000xi32, #tpu.memory_space<hbm>> -> memref<1x128xi32, #tpu.memory_space<hbm>>
    %dma_wait3A_72 = tpu.memref_squeeze %dma_wait3A_71 : memref<1x128xi32, #tpu.memory_space<hbm>> -> memref<128xi32, #tpu.memory_space<hbm>>
    %dma_wait3A_73 = arith.constant 0 : i32
    %dma_wait3A_74 = tpu.memref_slice %arg3[%dma_wait3A_69, %dma_wait3A_73] : memref<2x320000xi32, #tpu.memory_space<hbm>> -> memref<1x128xi32, #tpu.memory_space<hbm>>
    %dma_wait3A_75 = tpu.memref_squeeze %dma_wait3A_74 : memref<1x128xi32, #tpu.memory_space<hbm>> -> memref<128xi32, #tpu.memory_space<hbm>>
    tpu.wait_dma2 semaphore(%arg15 : memref<!tpu.dma_semaphore, #tpu.memory_space<semaphore_mem>>) src(%dma_wait3A_75 : memref<128xi32, #tpu.memory_space<hbm>>) dst(%arg9 : memref<128xi32, #tpu.memory_space<vmem>>)
    %lt3A = arith.constant 4 : i32
    %lt3A_76 = arith.cmpi slt, %add3A, %lt3A : i32
    %convert_element_type3A = arith.extui %lt3A_76 : i1 to i32
    %cond3A = arith.constant 0 : i32
    %cond3A_77 = arith.cmpi ne, %convert_element_type3A, %cond3A : i32
    scf.if %cond3A_77 {
      %add3A_83 = arith.constant 2496 : i32
      %add3A_84 = arith.addi %add3A_83, %add3A : i32
      %mul3A_85 = arith.constant 128 : i32
      %mul3A_86 = arith.muli %add3A_84, %mul3A_85 : i32
      %run_scoped3A_87 = arith.constant 1 : i32
      "tpu.region"() ({
        %run_scoped3A_110 = tpu.sem_alloc : memref<!tpu.dma_semaphore, #tpu.memory_space<semaphore_mem>>
        %dma_start3A_111 = tpu.memref_slice %arg3[%run_scoped3A_87, %mul3A_86] : memref<2x320000xi32, #tpu.memory_space<hbm>> -> memref<1x128xi32, #tpu.memory_space<hbm>>
        %dma_start3A_112 = tpu.memref_squeeze %dma_start3A_111 : memref<1x128xi32, #tpu.memory_space<hbm>> -> memref<128xi32, #tpu.memory_space<hbm>>
        %dma_start3A_113 = tpu.memref_slice %arg3[%run_scoped3A_87, %mul3A_86] : memref<2x320000xi32, #tpu.memory_space<hbm>> -> memref<1x128xi32, #tpu.memory_space<hbm>>
        %dma_start3A_114 = tpu.memref_squeeze %dma_start3A_113 : memref<1x128xi32, #tpu.memory_space<hbm>> -> memref<128xi32, #tpu.memory_space<hbm>>
        tpu.enqueue_dma source(%dma_start3A_114 : memref<128xi32, #tpu.memory_space<hbm>>) target(%arg6 : memref<128xi32, #tpu.memory_space<vmem>>) target_semaphore(%run_scoped3A_110 : memref<!tpu.dma_semaphore, #tpu.memory_space<semaphore_mem>>)
        %dma_wait3A_115 = tpu.memref_slice %arg3[%run_scoped3A_87, %mul3A_86] : memref<2x320000xi32, #tpu.memory_space<hbm>> -> memref<1x128xi32, #tpu.memory_space<hbm>>
        %dma_wait3A_116 = tpu.memref_squeeze %dma_wait3A_115 : memref<1x128xi32, #tpu.memory_space<hbm>> -> memref<128xi32, #tpu.memory_space<hbm>>
        %dma_wait3A_117 = tpu.memref_slice %arg3[%run_scoped3A_87, %mul3A_86] : memref<2x320000xi32, #tpu.memory_space<hbm>> -> memref<1x128xi32, #tpu.memory_space<hbm>>
        %dma_wait3A_118 = tpu.memref_squeeze %dma_wait3A_117 : memref<1x128xi32, #tpu.memory_space<hbm>> -> memref<128xi32, #tpu.memory_space<hbm>>
        tpu.wait_dma2 semaphore(%run_scoped3A_110 : memref<!tpu.dma_semaphore, #tpu.memory_space<semaphore_mem>>) src(%dma_wait3A_118 : memref<128xi32, #tpu.memory_space<hbm>>) dst(%arg6 : memref<128xi32, #tpu.memory_space<vmem>>)
        tpu.yield
      }) : () -> ()
      %run_scoped3A_88 = arith.constant 0 : i32
      "tpu.region"() ({
        %run_scoped3A_110 = tpu.sem_alloc : memref<!tpu.dma_semaphore, #tpu.memory_space<semaphore_mem>>
        %dma_start3A_111 = tpu.memref_slice %arg3[%run_scoped3A_88, %mul3A_86] : memref<2x320000xi32, #tpu.memory_space<hbm>> -> memref<1x128xi32, #tpu.memory_space<hbm>>
        %dma_start3A_112 = tpu.memref_squeeze %dma_start3A_111 : memref<1x128xi32, #tpu.memory_space<hbm>> -> memref<128xi32, #tpu.memory_space<hbm>>
        %dma_start3A_113 = tpu.memref_slice %arg3[%run_scoped3A_88, %mul3A_86] : memref<2x320000xi32, #tpu.memory_space<hbm>> -> memref<1x128xi32, #tpu.memory_space<hbm>>
        %dma_start3A_114 = tpu.memref_squeeze %dma_start3A_113 : memref<1x128xi32, #tpu.memory_space<hbm>> -> memref<128xi32, #tpu.memory_space<hbm>>
        tpu.enqueue_dma source(%dma_start3A_114 : memref<128xi32, #tpu.memory_space<hbm>>) target(%arg8 : memref<128xi32, #tpu.memory_space<vmem>>) target_semaphore(%run_scoped3A_110 : memref<!tpu.dma_semaphore, #tpu.memory_space<semaphore_mem>>)
        %dma_wait3A_115 = tpu.memref_slice %arg3[%run_scoped3A_88, %mul3A_86] : memref<2x320000xi32, #tpu.memory_space<hbm>> -> memref<1x128xi32, #tpu.memory_space<hbm>>
        %dma_wait3A_116 = tpu.memref_squeeze %dma_wait3A_115 : memref<1x128xi32, #tpu.memory_space<hbm>> -> memref<128xi32, #tpu.memory_space<hbm>>
        %dma_wait3A_117 = tpu.memref_slice %arg3[%run_scoped3A_88, %mul3A_86] : memref<2x320000xi32, #tpu.memory_space<hbm>> -> memref<1x128xi32, #tpu.memory_space<hbm>>
        %dma_wait3A_118 = tpu.memref_squeeze %dma_wait3A_117 : memref<1x128xi32, #tpu.memory_space<hbm>> -> memref<128xi32, #tpu.memory_space<hbm>>
        tpu.wait_dma2 semaphore(%run_scoped3A_110 : memref<!tpu.dma_semaphore, #tpu.memory_space<semaphore_mem>>) src(%dma_wait3A_118 : memref<128xi32, #tpu.memory_space<hbm>>) dst(%arg8 : memref<128xi32, #tpu.memory_space<vmem>>)
        tpu.yield
      }) : () -> ()
      "tpu.region"() ({
        %run_scoped3A_110 = tpu.sem_alloc : memref<!tpu.dma_semaphore, #tpu.memory_space<semaphore_mem>>
        %dma_start3A_111 = arith.constant 0 : i32
        %dma_start3A_112 = arith.constant 0 : i32
        %dma_start3A_113 = tpu.memref_slice %arg2[%dma_start3A_111, %dma_start3A_112] : memref<10000x128xf32, #tpu.memory_space<hbm>> -> memref<10000x128xf32, #tpu.memory_space<hbm>>
        tpu.enqueue_indirect_dma source(%dma_start3A_113 : memref<10000x128xf32, #tpu.memory_space<hbm>>) target(%arg10 : memref<128x128xf32, #tpu.memory_space<vmem>>) offsets(%arg6 : memref<128xi32, #tpu.memory_space<vmem>>) semaphore(%run_scoped3A_110 : memref<!tpu.dma_semaphore, #tpu.memory_space<semaphore_mem>>)
        %dma_wait3A_114 = arith.constant 0 : i32
        %dma_wait3A_115 = arith.constant 0 : i32
        %dma_wait3A_116 = tpu.memref_slice %arg2[%dma_wait3A_114, %dma_wait3A_115] : memref<10000x128xf32, #tpu.memory_space<hbm>> -> memref<10000x128xf32, #tpu.memory_space<hbm>>
        tpu.wait_indirect_dma semaphore(%run_scoped3A_110 : memref<!tpu.dma_semaphore, #tpu.memory_space<semaphore_mem>>) src(%dma_wait3A_116 : memref<10000x128xf32, #tpu.memory_space<hbm>>) dst(%arg10 : memref<128x128xf32, #tpu.memory_space<vmem>>)
        tpu.yield
      }) : () -> ()
      %dma_start3A_89 = arith.constant 0 : i32
      %dma_start3A_90 = arith.constant 0 : i32
      %dma_start3A_91 = tpu.memref_slice %arg13[%dma_start3A_89, %dma_start3A_90] : memref<10240x128xf32, #tpu.memory_space<vmem_shared>> -> memref<10240x128xf32, #tpu.memory_space<vmem_shared>>
      tpu.enqueue_indirect_dma source(%arg10 : memref<128x128xf32, #tpu.memory_space<vmem>>) target(%dma_start3A_91 : memref<10240x128xf32, #tpu.memory_space<vmem_shared>>) offsets(%arg8 : memref<128xi32, #tpu.memory_space<vmem>>) semaphore(%arg18 : memref<!tpu.dma_semaphore, #tpu.memory_space<semaphore_mem>>) {add = true}
      %get3A = arith.constant 0 : index
      %get3A_92 = tpu.vector_load %arg8[%get3A] {strides = array<i32>} : memref<128xi32, #tpu.memory_space<vmem>>, vector<16xi32>,
      tpu.vector_store_idx %arg12[%get3A_92], %broadcast_in_dim3A_5 {add = true} : memref<10240xf32, #tpu.memory_space<vmem>>[vector<16xi32>], vector<16xf32>,
      %get3A_93 = arith.constant 16 : index
      %get3A_94 = tpu.vector_load %arg8[%get3A_93] {strides = array<i32>} : memref<128xi32, #tpu.memory_space<vmem>>, vector<16xi32>,
      tpu.vector_store_idx %arg12[%get3A_94], %broadcast_in_dim3A_5 {add = true} : memref<10240xf32, #tpu.memory_space<vmem>>[vector<16xi32>], vector<16xf32>,
      %get3A_95 = arith.constant 32 : index
      %get3A_96 = tpu.vector_load %arg8[%get3A_95] {strides = array<i32>} : memref<128xi32, #tpu.memory_space<vmem>>, vector<16xi32>,
      tpu.vector_store_idx %arg12[%get3A_96], %broadcast_in_dim3A_5 {add = true} : memref<10240xf32, #tpu.memory_space<vmem>>[vector<16xi32>], vector<16xf32>,
      %get3A_97 = arith.constant 48 : index
      %get3A_98 = tpu.vector_load %arg8[%get3A_97] {strides = array<i32>} : memref<128xi32, #tpu.memory_space<vmem>>, vector<16xi32>,
      tpu.vector_store_idx %arg12[%get3A_98], %broadcast_in_dim3A_5 {add = true} : memref<10240xf32, #tpu.memory_space<vmem>>[vector<16xi32>], vector<16xf32>,
      %get3A_99 = arith.constant 64 : index
      %get3A_100 = tpu.vector_load %arg8[%get3A_99] {strides = array<i32>} : memref<128xi32, #tpu.memory_space<vmem>>, vector<16xi32>,
      tpu.vector_store_idx %arg12[%get3A_100], %broadcast_in_dim3A_5 {add = true} : memref<10240xf32, #tpu.memory_space<vmem>>[vector<16xi32>], vector<16xf32>,
      %get3A_101 = arith.constant 80 : index
      %get3A_102 = tpu.vector_load %arg8[%get3A_101] {strides = array<i32>} : memref<128xi32, #tpu.memory_space<vmem>>, vector<16xi32>,
      tpu.vector_store_idx %arg12[%get3A_102], %broadcast_in_dim3A_5 {add = true} : memref<10240xf32, #tpu.memory_space<vmem>>[vector<16xi32>], vector<16xf32>,
      %get3A_103 = arith.constant 96 : index
      %get3A_104 = tpu.vector_load %arg8[%get3A_103] {strides = array<i32>} : memref<128xi32, #tpu.memory_space<vmem>>, vector<16xi32>,
      tpu.vector_store_idx %arg12[%get3A_104], %broadcast_in_dim3A_5 {add = true} : memref<10240xf32, #tpu.memory_space<vmem>>[vector<16xi32>], vector<16xf32>,
      %get3A_105 = arith.constant 112 : index
      %get3A_106 = tpu.vector_load %arg8[%get3A_105] {strides = array<i32>} : memref<128xi32, #tpu.memory_space<vmem>>, vector<16xi32>,
      tpu.vector_store_idx %arg12[%get3A_106], %broadcast_in_dim3A_5 {add = true} : memref<10240xf32, #tpu.memory_space<vmem>>[vector<16xi32>], vector<16xf32>,
      %dma_wait3A_107 = arith.constant 0 : i32
      %dma_wait3A_108 = arith.constant 0 : i32
      %dma_wait3A_109 = tpu.memref_slice %arg13[%dma_wait3A_107, %dma_wait3A_108] : memref<10240x128xf32, #tpu.memory_space<vmem_shared>> -> memref<10240x128xf32, #tpu.memory_space<vmem_shared>>
      tpu.wait_indirect_dma semaphore(%arg18 : memref<!tpu.dma_semaphore, #tpu.memory_space<semaphore_mem>>) src(%arg10 : memref<128x128xf32, #tpu.memory_space<vmem>>) dst(%dma_wait3A_109 : memref<10240x128xf32, #tpu.memory_space<vmem_shared>>)
    } else {
    }
    %barrier3A_78 = arith.constant 0 : index
    tpu.barrier barrier_id(%barrier3A_78)
    %mul3A_79 = arith.constant 640 : i32
    %mul3A_80 = arith.muli %arg1, %mul3A_79 : i32
    %mul3A_81 = arith.constant 640 : i32
    %mul3A_82 = arith.muli %arg1, %mul3A_81 : i32
    "tpu.region"() ({
      %run_scoped3A_83 = tpu.sem_alloc : memref<!tpu.dma_semaphore, #tpu.memory_space<semaphore_mem>>
      %dma_start3A_84 = arith.constant 0 : i32
      %dma_start3A_85 = tpu.memref_slice %arg4[%arg0, %mul3A_82, %dma_start3A_84] : memref<2x10240x128xf32, #tpu.memory_space<hbm>> -> memref<1x640x128xf32, #tpu.memory_space<hbm>>
      %dma_start3A_86 = tpu.memref_squeeze %dma_start3A_85 : memref<1x640x128xf32, #tpu.memory_space<hbm>> -> memref<640x128xf32, #tpu.memory_space<hbm>>
      %dma_start3A_87 = arith.constant 0 : i32
      %dma_start3A_88 = tpu.memref_slice %arg13[%mul3A_80, %dma_start3A_87] : memref<10240x128xf32, #tpu.memory_space<vmem_shared>> -> memref<640x128xf32, #tpu.memory_space<vmem_shared>>
      tpu.enqueue_dma source(%dma_start3A_88 : memref<640x128xf32, #tpu.memory_space<vmem_shared>>) target(%dma_start3A_86 : memref<640x128xf32, #tpu.memory_space<hbm>>) target_semaphore(%run_scoped3A_83 : memref<!tpu.dma_semaphore, #tpu.memory_space<semaphore_mem>>)
      %dma_wait3A_89 = arith.constant 0 : i32
      %dma_wait3A_90 = tpu.memref_slice %arg4[%arg0, %mul3A_82, %dma_wait3A_89] : memref<2x10240x128xf32, #tpu.memory_space<hbm>> -> memref<1x640x128xf32, #tpu.memory_space<hbm>>
      %dma_wait3A_91 = tpu.memref_squeeze %dma_wait3A_90 : memref<1x640x128xf32, #tpu.memory_space<hbm>> -> memref<640x128xf32, #tpu.memory_space<hbm>>
      %dma_wait3A_92 = arith.constant 0 : i32
      %dma_wait3A_93 = tpu.memref_slice %arg13[%mul3A_80, %dma_wait3A_92] : memref<10240x128xf32, #tpu.memory_space<vmem_shared>> -> memref<640x128xf32, #tpu.memory_space<vmem_shared>>
      tpu.wait_dma2 semaphore(%run_scoped3A_83 : memref<!tpu.dma_semaphore, #tpu.memory_space<semaphore_mem>>) src(%dma_wait3A_93 : memref<640x128xf32, #tpu.memory_space<vmem_shared>>) dst(%dma_wait3A_91 : memref<640x128xf32, #tpu.memory_space<hbm>>)
      tpu.yield
    }) : () -> ()
    "tpu.region"() ({
      %run_scoped3A_83 = tpu.sem_alloc : memref<!tpu.dma_semaphore, #tpu.memory_space<semaphore_mem>>
      %dma_start3A_84 = arith.constant 0 : i32
      %dma_start3A_85 = tpu.memref_slice %arg5[%arg0, %arg1, %dma_start3A_84] : memref<2x16x10240xf32, #tpu.memory_space<hbm>> -> memref<1x1x10240xf32, #tpu.memory_space<hbm>>
      %dma_start3A_86 = tpu.memref_squeeze %dma_start3A_85 : memref<1x1x10240xf32, #tpu.memory_space<hbm>> -> memref<10240xf32, #tpu.memory_space<hbm>>
      %dma_start3A_87 = arith.constant 0 : i32
      %dma_start3A_88 = tpu.memref_slice %arg5[%arg0, %arg1, %dma_start3A_87] : memref<2x16x10240xf32, #tpu.memory_space<hbm>> -> memref<1x1x10240xf32, #tpu.memory_space<hbm>>
      %dma_start3A_89 = tpu.memref_squeeze %dma_start3A_88 : memref<1x1x10240xf32, #tpu.memory_space<hbm>> -> memref<10240xf32, #tpu.memory_space<hbm>>
      tpu.enqueue_dma source(%arg12 : memref<10240xf32, #tpu.memory_space<vmem>>) target(%dma_start3A_89 : memref<10240xf32, #tpu.memory_space<hbm>>) target_semaphore(%run_scoped3A_83 : memref<!tpu.dma_semaphore, #tpu.memory_space<semaphore_mem>>)
      %dma_wait3A_90 = arith.constant 0 : i32
      %dma_wait3A_91 = tpu.memref_slice %arg5[%arg0, %arg1, %dma_wait3A_90] : memref<2x16x10240xf32, #tpu.memory_space<hbm>> -> memref<1x1x10240xf32, #tpu.memory_space<hbm>>
      %dma_wait3A_92 = tpu.memref_squeeze %dma_wait3A_91 : memref<1x1x10240xf32, #tpu.memory_space<hbm>> -> memref<10240xf32, #tpu.memory_space<hbm>>
      %dma_wait3A_93 = arith.constant 0 : i32
      %dma_wait3A_94 = tpu.memref_slice %arg5[%arg0, %arg1, %dma_wait3A_93] : memref<2x16x10240xf32, #tpu.memory_space<hbm>> -> memref<1x1x10240xf32, #tpu.memory_space<hbm>>
      %dma_wait3A_95 = tpu.memref_squeeze %dma_wait3A_94 : memref<1x1x10240xf32, #tpu.memory_space<hbm>> -> memref<10240xf32, #tpu.memory_space<hbm>>
      tpu.wait_dma2 semaphore(%run_scoped3A_83 : memref<!tpu.dma_semaphore, #tpu.memory_space<semaphore_mem>>) src(%arg12 : memref<10240xf32, #tpu.memory_space<vmem>>) dst(%dma_wait3A_95 : memref<10240xf32, #tpu.memory_space<hbm>>)
      tpu.yield
    }) : () -> ()
    return
  }
}

module attributes {stable_mosaic.version = 14 : i64} {
  func.func @_comb2_body(%arg0: memref<2x10240x128xf32, #tpu.memory_space<vmem>>, %arg1: memref<32x10240xf32, #tpu.memory_space<vmem>>, %arg2: memref<10000x128xf32, #tpu.memory_space<vmem>>) attributes {dimension_semantics = [], scalar_prefetch = 0 : i64, scratch_operands = 0 : i64, tpu.core_type = #tpu.core_type<tc>} {
    %get3A = arith.constant 0 : index
    %get3A_0 = arith.constant 0 : index
    %get3A_1 = vector.load %arg1[%get3A, %get3A_0] : memref<32x10240xf32, #tpu.memory_space<vmem>>, vector<32x10240xf32>
    %reduce_sum3A = arith.constant dense<0.000000e+00> : vector<10240xf32>
    %reduce_sum3A_2 = vector.multi_reduction <add>, %get3A_1, %reduce_sum3A [0] : vector<32x10240xf32> to vector<10240xf32>
    %slice3A = vector.extract_strided_slice %reduce_sum3A_2 {offsets = [0], sizes = [10000], strides = [1]} : vector<10240xf32> to vector<10000xf32>
    %broadcast_in_dim3A = vector.shape_cast %slice3A : vector<10000xf32> to vector<10000x1xf32>
    %get3A_3 = arith.constant 0 : index
    %get3A_4 = arith.constant 0 : index
    %get3A_5 = arith.constant 0 : index
    %get3A_6 = vector.load %arg0[%get3A_3, %get3A_4, %get3A_5] : memref<2x10240x128xf32, #tpu.memory_space<vmem>>, vector<1x10000x128xf32>
    %get3A_7 = vector.shape_cast %get3A_6 : vector<1x10000x128xf32> to vector<10000x128xf32>
    %get3A_8 = arith.constant 1 : index
    %get3A_9 = arith.constant 0 : index
    %get3A_10 = arith.constant 0 : index
    %get3A_11 = vector.load %arg0[%get3A_8, %get3A_9, %get3A_10] : memref<2x10240x128xf32, #tpu.memory_space<vmem>>, vector<1x10000x128xf32>
    %get3A_12 = vector.shape_cast %get3A_11 : vector<1x10000x128xf32> to vector<10000x128xf32>
    %add3A = arith.addf %get3A_7, %get3A_12 : vector<10000x128xf32>
    %max3A = arith.constant 1.000000e+00 : f32
    %max3A_13 = vector.broadcast %max3A : f32 to vector<10000x1xf32>
    %max3A_14 = arith.maximumf %broadcast_in_dim3A, %max3A_13 : vector<10000x1xf32>
    %div3A = vector.broadcast %max3A_14 : vector<10000x1xf32> to vector<10000x128xf32>
    %div3A_15 = arith.divf %add3A, %div3A : vector<10000x128xf32>
    %ge3A = arith.constant 0.000000e+00 : f32
    %ge3A_16 = vector.broadcast %ge3A : f32 to vector<10000x128xf32>
    %ge3A_17 = arith.cmpf oge, %div3A_15, %ge3A_16 : vector<10000x128xf32>
    %mul3A = arith.constant 0.00999999977 : f32
    %mul3A_18 = vector.broadcast %mul3A : f32 to vector<10000x128xf32>
    %mul3A_19 = arith.mulf %mul3A_18, %div3A_15 : vector<10000x128xf32>
    %select_n3A = arith.select %ge3A_17, %div3A_15, %mul3A_19 : vector<10000x128xi1>, vector<10000x128xf32>
    %swap3A = arith.constant 0 : index
    %swap3A_20 = arith.constant 0 : index
    %swap3A_21 = vector.load %arg2[%swap3A, %swap3A_20] : memref<10000x128xf32, #tpu.memory_space<vmem>>, vector<10000x128xf32>
    tpu.vector_store %arg2[%swap3A, %swap3A_20], %select_n3A {strides = array<i32>} : memref<10000x128xf32, #tpu.memory_space<vmem>>, vector<10000x128xf32>,
    return
  }
}

module attributes {stable_mosaic.version = 14 : i64} {
  func.func @_mm_body(%arg0: memref<10000x128xf32, #tpu.memory_space<vmem>>, %arg1: memref<128x128xf32, #tpu.memory_space<vmem>>, %arg2: memref<1x128xf32, #tpu.memory_space<vmem>>, %arg3: memref<10000x128xf32, #tpu.memory_space<vmem>>) attributes {dimension_semantics = [], scalar_prefetch = 0 : i64, scratch_operands = 0 : i64, tpu.core_type = #tpu.core_type<tc>} {
    %get3A = arith.constant 0 : index
    %get3A_0 = arith.constant 0 : index
    %get3A_1 = vector.load %arg0[%get3A, %get3A_0] : memref<10000x128xf32, #tpu.memory_space<vmem>>, vector<10000x128xf32>
    %get3A_2 = arith.constant 0 : index
    %get3A_3 = arith.constant 0 : index
    %get3A_4 = vector.load %arg1[%get3A_2, %get3A_3] : memref<128x128xf32, #tpu.memory_space<vmem>>, vector<128x128xf32>
    %dot_general3A = arith.constant dense<0.000000e+00> : vector<10000x128xf32>
    %dot_general3A_5 = tpu.matmul %get3A_1, %get3A_4, %dot_general3A {dimension_numbers = #tpu.dot_dimension_numbers<[1], [0], [0], [1], [0, 0, 1, 1], [], []>, transpose_lhs_hint = false} : vector<10000x128xf32>, vector<128x128xf32>, vector<10000x128xf32> -> vector<10000x128xf32>
    %get3A_6 = arith.constant 0 : index
    %get3A_7 = arith.constant 0 : index
    %get3A_8 = vector.load %arg2[%get3A_6, %get3A_7] : memref<1x128xf32, #tpu.memory_space<vmem>>, vector<1x128xf32>
    %add3A = vector.broadcast %get3A_8 : vector<1x128xf32> to vector<10000x128xf32>
    %add3A_9 = arith.addf %dot_general3A_5, %add3A : vector<10000x128xf32>
    %swap3A = arith.constant 0 : index
    %swap3A_10 = arith.constant 0 : index
    %swap3A_11 = vector.load %arg3[%swap3A, %swap3A_10] : memref<10000x128xf32, #tpu.memory_space<vmem>>, vector<10000x128xf32>
    tpu.vector_store %arg3[%swap3A, %swap3A_10], %add3A_9 {strides = array<i32>} : memref<10000x128xf32, #tpu.memory_space<vmem>>, vector<10000x128xf32>,
    return
  }
}

module attributes {stable_mosaic.version = 14 : i64} {
  func.func @_comb1_body(%arg0: memref<2x10240x128xf32, #tpu.memory_space<vmem>>, %arg1: memref<32x10240xf32, #tpu.memory_space<vmem>>, %arg2: memref<10000x128xf32, #tpu.memory_space<vmem>>) attributes {dimension_semantics = [], scalar_prefetch = 0 : i64, scratch_operands = 0 : i64, tpu.core_type = #tpu.core_type<tc>} {
    %get3A = arith.constant 0 : index
    %get3A_0 = arith.constant 0 : index
    %get3A_1 = vector.load %arg1[%get3A, %get3A_0] : memref<32x10240xf32, #tpu.memory_space<vmem>>, vector<32x10240xf32>
    %reduce_sum3A = arith.constant dense<0.000000e+00> : vector<10240xf32>
    %reduce_sum3A_2 = vector.multi_reduction <add>, %get3A_1, %reduce_sum3A [0] : vector<32x10240xf32> to vector<10240xf32>
    %slice3A = vector.extract_strided_slice %reduce_sum3A_2 {offsets = [0], sizes = [10000], strides = [1]} : vector<10240xf32> to vector<10000xf32>
    %broadcast_in_dim3A = vector.shape_cast %slice3A : vector<10000xf32> to vector<10000x1xf32>
    %get3A_3 = arith.constant 0 : index
    %get3A_4 = arith.constant 0 : index
    %get3A_5 = arith.constant 0 : index
    %get3A_6 = vector.load %arg0[%get3A_3, %get3A_4, %get3A_5] : memref<2x10240x128xf32, #tpu.memory_space<vmem>>, vector<1x10000x128xf32>
    %get3A_7 = vector.shape_cast %get3A_6 : vector<1x10000x128xf32> to vector<10000x128xf32>
    %get3A_8 = arith.constant 1 : index
    %get3A_9 = arith.constant 0 : index
    %get3A_10 = arith.constant 0 : index
    %get3A_11 = vector.load %arg0[%get3A_8, %get3A_9, %get3A_10] : memref<2x10240x128xf32, #tpu.memory_space<vmem>>, vector<1x10000x128xf32>
    %get3A_12 = vector.shape_cast %get3A_11 : vector<1x10000x128xf32> to vector<10000x128xf32>
    %add3A = arith.addf %get3A_7, %get3A_12 : vector<10000x128xf32>
    %max3A = arith.constant 1.000000e+00 : f32
    %max3A_13 = vector.broadcast %max3A : f32 to vector<10000x1xf32>
    %max3A_14 = arith.maximumf %broadcast_in_dim3A, %max3A_13 : vector<10000x1xf32>
    %div3A = vector.broadcast %max3A_14 : vector<10000x1xf32> to vector<10000x128xf32>
    %div3A_15 = arith.divf %add3A, %div3A : vector<10000x128xf32>
    %swap3A = arith.constant 0 : index
    %swap3A_16 = arith.constant 0 : index
    %swap3A_17 = vector.load %arg2[%swap3A, %swap3A_16] : memref<10000x128xf32, #tpu.memory_space<vmem>>, vector<10000x128xf32>
    tpu.vector_store %arg2[%swap3A, %swap3A_16], %div3A_15 {strides = array<i32>} : memref<10000x128xf32, #tpu.memory_space<vmem>>, vector<10000x128xf32>,
    return
  }
}

</mosaic_0001>

<sc_bundles>
// kernel: kernel.10.cloned.1.call-start
scs
__scs_entry_jumppad:
0x0: {  	(pc) =	sbr.rel $0x88, $3  }
0x1: {  	(tag) =	ssettag $0x0;
	lr =	simm.s32 $0x1  }
0x2: {  	[smem:$0x3F9D] =	sst lr;
	_ =	strace $0xD0000000  }
0x3: {  	_ = 	snop  }
0x4: {  	_ = 	snop  }
0x5: {  	_ = 	snop  }
0x6: {  	_ = 	snop  }
0x7: {  	_ = 	snop  }
__scs_overlays_trampoline_lowered:
0x8: {  	[smem:$0x3FAC] =	sst s0  }
0x9: {  	[smem:$0x3FAD] =	sst s1  }
0xa: {  	[smem:$0x3FAE] =	sst s2  }
0xb: {  	[smem:$0x3FAF] =	sst s3  }
0xc: {  	[smem:$0x3FB0] =	sst s4  }
0xd: {  	[smem:$0x3FB1] =	sst s5  }
0xe: {  	[smem:$0x3FB2] =	sst s6  }
0xf: {  	[smem:$0x3FB3] =	sst s7  }
0x10: {  	[smem:$0x3FB4] =	sst s8  }
0x11: {  	[smem:$0x3FB5] =	sst s9;
	s0 =	simm.s32 @!p0 $0x0  }
0x12: {  	s1 =	sld [smem:$0x3F9B];
	s0 =	simm.s32 @p0 $0x1  }
0x13: {  	[smem:$0x3FB6] =	sst s0;
	s0 =	simm.s32 @!p1 $0x0  }
0x14: {  	s2 =	sld [smem:$0x3F9A];
	s0 =	simm.s32 @p1 $0x1  }
0x15: {  	[smem:$0x3FB7] =	sst s0;
	s0 =	simm.s32 @!p2 $0x0  }
0x16: {  	s3 =	sld [smem:$0x3FDB];
	s0 =	simm.s32 @p2 $0x1  }
0x17: {  	s4 =	simm.s32 $0x1BF5;
	[smem:$0x3FB9] =	sst s0  }
0x18: {  	s0 =	sld [smem:$0x3F9C];
	_ =	swait.ge [sflag:s4], $0x0  }
0x19: {  	s7 =	sld [smem:$0x3F9D]  }
0x1a: {  	s8 =	sadd.s32 $0xFFFFE003, lr  }
0x1b: {  	s9 =	sadd.s32 $0xFFFFFEF7, lr;
	s5 =	simm.s32 $0xFFFFFFFF;
	p2 =	slt.u32 s8, $0xFFFFF086  }
0x1c: {  	p1 =	slt.u32 s9, $0xF7A;
	s5 =	simm.s32 @!p2 $0x0  }
0x1d: {  	s5 =	simm.s32 @p1 $0x1;
	p0 =	seq.s32 s7, s2  }
0x1e: {  	s7 =	smul.u32 @!p0 $0xF7A, s2;
	p2 =	seq.s32 @!p0 s5, $0x0  }
0x1f: {  	s9 =	smul.u32 $0xF7A, s1;
	s8 =	simm.s32 @!p0 $0x1BF5;
	p2 =	por !p2, p0  }
0x20: {  	[sflag:s8] =	ssyncset.s32 @!p0 $0xFFFFF086;
	s6 =	sadd.s32 @!p0 s3, s7;
	s7 =	simm.s32 @!p0 $0x108  }
0x21: {  	s3 =	sadd.s32 s3, s9;
	s6 =	sadd.s32 @!p0 $0x88, s6;
	s7 =	simm.s32 @p2 $0x1082  }
0x22: {  	[simem:s7], [sflag:s8] =	dma.local @!p0 [hbm:s6], $0xF7A  }
0x23: {  	s9 =	sor.u32 $0xD0000000, s2;
	s6 =	simm.s32 $0x108;
	_ =	swait.ge @!p0 [sflag:s8], $0x0  }
0x24: {  	s3 =	sadd.s32 $0x88, s3;
	s6 =	simm.s32 @!p1 $0x1082;
	[sflag:s4] =	ssyncset.s32 $0xFFFFF086  }
0x25: {  	[simem:s6], [sflag:s4] =	dma.local [hbm:s3], $0xF7A  }
0x26: {  	[smem:$0x3F9D] =	sst s1;
	(tag) =	ssettag s2;
	_ =	strace s9  }
0x27: {  	s1 =	sld [smem:$0x3FAD]  }
0x28: {  	s2 =	sld [smem:$0x3FAE]  }
0x29: {  	s4 =	sld [smem:$0x3FB0]  }
0x2a: {  	p0 =	seq.s32 s5, $0x0;
	s5 =	sld [smem:$0x3FB1]  }
0x2b: {  	s6 =	sld [smem:$0x3FB2]  }
0x2c: {  	s7 =	sld [smem:$0x3FB3]  }
0x2d: {  	s3 =	simm.s32 $0x108;
	s8 =	sld [smem:$0x3FB4]  }
0x2e: {  	s3 =	simm.s32 @!p0 $0x1082;
	s9 =	sld [smem:$0x3FB5]  }
0x2f: {  	lr =	sadd.s32 s0, s3;
	s0 =	sld [smem:$0x3FAC]  }
0x30: {  	s3 =	sld [smem:$0x3FAF]  }
0x31: {  	[smem:$0x3FB8] =	sst s10  }
0x32: {  	s10 =	sld [smem:$0x3FB6];
	_ =	sdelay $0x3  }
0x33: {  	p0 =	seq.s32 s10, $0x1;
	s10 =	sld [smem:$0x3FB8];
	_ =	sdelay $0x3  }
0x34: {  	[smem:$0x3FB8] =	sst s10  }
0x35: {  	s10 =	sld [smem:$0x3FB7];
	_ =	sdelay $0x3  }
0x36: {  	p1 =	seq.s32 s10, $0x1;
	s10 =	sld [smem:$0x3FB8];
	_ =	sdelay $0x3  }
0x37: {  	[smem:$0x3FB8] =	sst s10  }
0x38: {  	s10 =	sld [smem:$0x3FB9]  }
0x39: {  	_ = 	snop;
	(pc) =	sbr.ind lr, $3  }
0x3a: {  	_ = 	snop  }
0x3b: {  	_ = 	snop  }
0x3c: {  	p2 =	seq.s32 s10, $0x1;
	s10 =	sld [smem:$0x3FB8]  }
0x3d: {  	_ =	shalt  }
0x3e: {  	_ =	shalt  }
0x3f: {  	_ =	shalt  }
0x40: {  	_ =	shalt  }
0x41: {  	_ =	shalt  }
0x42: {  	_ =	shalt  }
0x43: {  	_ =	shalt  }
0x44: {  	_ =	shalt  }
0x45: {  	_ =	shalt  }
0x46: {  	_ =	shalt  }
0x47: {  	_ =	shalt  }
0x48: {  	_ =	shalt  }
0x49: {  	_ =	shalt  }
0x4a: {  	_ =	shalt  }
0x4b: {  	_ =	shalt  }
0x4c: {  	_ =	shalt  }
0x4d: {  	_ =	shalt  }
0x4e: {  	_ =	shalt  }
0x4f: {  	_ =	shalt  }
0x50: {  	_ =	shalt  }
0x51: {  	_ =	shalt  }
0x52: {  	_ =	shalt  }
0x53: {  	_ =	shalt  }
0x54: {  	_ =	shalt  }
0x55: {  	_ =	shalt  }
0x56: {  	_ =	shalt  }
0x57: {  	_ =	shalt  }
0x58: {  	_ =	shalt  }
0x59: {  	_ =	shalt  }
0x5a: {  	_ =	shalt  }
0x5b: {  	_ =	shalt  }
0x5c: {  	_ =	shalt  }
0x5d: {  	_ =	shalt  }
0x5e: {  	_ =	shalt  }
0x5f: {  	_ =	shalt  }
0x60: {  	_ =	shalt  }
0x61: {  	_ =	shalt  }
0x62: {  	_ =	shalt  }
0x63: {  	_ =	shalt  }
0x64: {  	_ =	shalt  }
0x65: {  	_ =	shalt  }
0x66: {  	_ =	shalt  }
0x67: {  	_ =	shalt  }
0x68: {  	_ =	shalt  }
0x69: {  	_ =	shalt  }
0x6a: {  	_ =	shalt  }
0x6b: {  	_ =	shalt  }
0x6c: {  	_ =	shalt  }
0x6d: {  	_ =	shalt  }
0x6e: {  	_ =	shalt  }
0x6f: {  	_ =	shalt  }
0x70: {  	_ =	shalt  }
0x71: {  	_ =	shalt  }
0x72: {  	_ =	shalt  }
0x73: {  	_ =	shalt  }
0x74: {  	_ =	shalt  }
0x75: {  	_ =	shalt  }
0x76: {  	_ =	shalt  }
0x77: {  	_ =	shalt  }
0x78: {  	_ =	shalt  }
0x79: {  	_ =	shalt  }
0x7a: {  	_ =	shalt  }
0x7b: {  	_ =	shalt  }
0x7c: {  	_ =	shalt  }
0x7d: {  	_ =	shalt  }
0x7e: {  	_ =	shalt  }
0x7f: {  	_ =	shalt  }
0x80: {  	_ =	shalt  }
0x81: {  	_ =	shalt  }
0x82: {  	_ =	shalt  }
0x83: {  	_ =	shalt  }
0x84: {  	_ =	shalt  }
0x85: {  	_ =	shalt  }
0x86: {  	_ =	shalt  }
0x87: {  	_ =	shalt  }
.Lfunc_end0:
.L_simem_size_0:
called_computation.1_lowered:
.L_overlay_start_0:
0x88: {  	s2 =	sld [smem:$0x3FD9]  }
0x89: {  	s3 =	sld [smem:$0x3FFE];
	_ =	sdelay $0x1  }
0x8a: {  	s1 =	srdreg.scid  }
0x8b: {  	s0 =	sand.u32 $0x1, s1  }
0x8c: {  	s17 =	sshll.u32 s0, $0xA;
	s2 =	sadd.s32 s3, s2  }
0x8d: {  	s2 =	sadd.s32 s2, s17  }
0x8e: {  	[smem:$0x3FC4] =	sst s2  }
0x8f: {  	_ = 	snop  }
0x90: {  	s2 =	sld [smem:$0x3FC8]  }
0x91: {  	s18 =	sld [smem:$0x3FD0];
	(tm) =	ssettm $0x1  }
0x92: {  	s4 =	sld [smem:$0x3FFB];
	_ =	sdelay $0x3  }
0x93: {  	_ =	strace s4  }
0x94: {  	s4 =	sld [smem:$0x3FFC];
	_ =	sdelay $0x3  }
0x95: {  	_ =	strace s4  }
0x96: {  	s4 =	sld [smem:$0x3FFD];
	_ =	sdelay $0x3  }
0x97: {  	_ =	strace s4  }
0x98: {  	_ =	strace $0x8FFFFFFF  }
0x99: {  	s19 =	sld [smem:$0x3FDB];
	_ =	sdelay $0x1  }
0x9a: {  	s5 =	simm.s32 $_scs_section_size  }
0x9b: {  	s6 =	simm.s32 $_size__tile_overlayer_lowered;
	s7 =	simm.s32 $_tile_overlayer_lowered  }
0x9c: {  	s22 =	simm.s32 $0x1BFF;
	s21 =	sshll.u32 s7, $0x1;
	s4 =	sadd.s32 s5, s19  }
0x9d: {  	s8 =	simm.s32 $0x0;
	s20 =	sshll.u32 s6, $0x1;
	s6 =	sadd.s32 s21, s4  }
0x9e: {  	[timem:s8], [sflag:s22] =	dma.local [hbm:s6], s20  }
0x9f: {  	_ =	swait.ge [sflag:s22], s20  }
0xa0: {  	s5 =	ssub.s32 $0x0, s20;
	[sflag:s22] =	ssyncset.done $0x0  }
0xa1: {  	[sflag:s22] =	ssyncadd.s32 s5;
	_ =	sdelay $0x1  }
0xa2: {  	s23 =	simm.s32 $0x1B8B  }
0xa3: {  	_ =	swait.ge [sflag:s23], $0x1  }
0xa4: {  	[sflag:s23] =	ssyncset.done $0x0  }
0xa5: {  	s25 =	simm.s32 $0x1B8E;
	s24 =	sld [smem:$0x3FFE];
	[sflag:s23] =	ssyncadd.s32 $0xFFFFFFFF  }
0xa6: {  	s26 =	simm.s32 $execute0_lowered;
	[smem:$0x3FD2] =	sst s25  }
0xa7: {  	s6 =	sshll.u32 s26, $0x1;
	_ =	strace $0x80000049;
	[dreg:$0x1] =	wrdreg $0xFFFFFFFF  }
0xa8: {  	s28 =	simm.s32 $_size_execute0_lowered;
	s4 =	sadd.s32 s4, s6;
	[dreg:$0x0] =	wrdreg $0x0  }
0xa9: {  	s6 =	sshll.u32 s28, $0x1;
	[dreg:$0x2] =	wrdreg s4  }
0xaa: {  	[dreg:$0x3] =	wrdreg s6  }
0xab: {  	[dreg:$0x4] =	wrdreg $0xC0  }
0xac: {  	_ =	task [dreg:s8], $0x5FFFF  }
0xad: {  	[dreg:$0x1] =	wrdreg $0xFFFFFFFF  }
0xae: {  	[dreg:$0x0] =	wrdreg $0x60  }
0xaf: {  	[dreg:$0x2] =	wrdreg s18  }
0xb0: {  	[dreg:$0x3] =	wrdreg s2  }
0xb1: {  	[dreg:$0x4] =	wrdreg s24  }
0xb2: {  	[dreg:$0x5] =	wrdreg $0xAA000  }
0xb3: {  	[dreg:$0x6] =	wrdreg $0x9  }
0xb4: {  	_ =	task.clear_ibuf [dreg:s8], $0x7FFFF;
	_ =	strace $0x90000049  }
0xb5: {  	s29 =	simm.s32 $0x9;
	_ =	strace $0x8000004B  }
0xb6: {  	_ =	swait.ge [sflag:s29], $0x1  }
0xb7: {  	[sflag:s29] =	ssyncadd.s32 $0xFFFFFFFF  }
0xb8: {  	_ =	strace $0x9000004B  }
0xb9: {  	_ =	sfence  }
0xba: {  	s30 =	sld [smem:$0x0];
	_ =	sdelay $0x2  }
0xbb: {  	s31 =	sshll.u32 s1, $0xD;
	s1 =	sshrl.u32 s1, $0x2  }
0xbc: {  	s3 =	sand.u32 $0x4000, s31;
	s1 =	sadd.s32 s1, s30  }
0xbd: {  	s0 =	sor.u32 s3, s0;
	s1 =	sshll.u32 s1, $0x11  }
0xbe: {  	s0 =	sor.u32 s1, s0  }
0xbf: {  	s0 =	sadd.s32 $0x8F2B, s0  }
0xc0: {  	[sflag:s0] =	ssyncadd.remote.s32 $0x1  }
0xc1: {  	_ =	sfence.sel $0xFFFF  }
0xc2: {  	[dreg:$0x0] =	wrdreg $0xFFFFFFFF;
	(pc) =	sbr.abs _section_cstart, $3  }
0xc3: {  	[dreg:$0x1] =	wrdreg $0xFFFFFFFF  }
0xc4: {  	_ =	task.clear_ibuf [dreg:s8], $0x2FFFF;
	_ =	strace $0x9FFFFFFF  }
0xc5: {  	(tm) =	ssettm $0x7FFFFFFF  }
tec
execute0_lowered:
.L_overlay_start_1:
0x0: {  	(tag) =	ssettag $0x1  }
0x1: {  	s0 =	rddreg [dreg:$0x0]  }
0x2: {  	s2 =	rddreg [dreg:$0x1];
	s1 =	srdreg.scid  }
0x3: {  	s3 =	rddreg [dreg:$0x2];
	s14 =	stileid.u32  }
0x4: {  	s4 =	rddreg [dreg:$0x3];
	s9 =	smul.u32 $0x14000, s14  }
0x5: {  	s28 =	simm.s32 $0x2;
	s1 =	sand.u32 $0x1, s1;
	s13 =	smul.u32 $0x50000, s14  }
0x6: {  	s29 =	simm.s32 $0x4200;
	s30 =	simm.s32 $0x3;
	s6 =	smul.u32 $0x140000, s1  }
0x7: {  	s31 =	simm.s32 $0x100;
	s5 =	sshrl.u32 s14, $0x3;
	s7 =	smul.u32 $0x28000, s1  }
0x8: {  	s10 =	sshll.u32 s14, $0x7;
	s22 =	sshll.u32 s14, $0x5;
	s8 =	smul.u32 $0x14000, s5  }
0x9: {  	s5 =	simm.s32 $0x0;
	s12 =	sand.u32 $0x380, s10;
	s15 =	ssub.s32 $0x2, s1  }
0xa: {  	s17 =	sshll.u32 s1, $0x4;
	s1 =	smul.u32 $0x27000, s1;
	[smem:$0x7FF] =	sst s5  }
0xb: {  	s16 =	sshrl.u32 s15, $0x1;
	s10 =	sor.u32 s14, s17;
	s7 =	sadd.s32 s7, s8  }
0xc: {  	_ =	strace $0x8000004A;
	s6 =	sadd.s32 s9, s6;
	s19 =	smul.u32 $0x9C0, s10  }
0xd: {  	s8 =	sshrl.u32 s13, $0x2;
	s13 =	smul.u32 $0x2700, s14;
	s6 =	sshrl.u32 s6, $0x3  }
0xe: {  	p0 =	sgt.u32 s10, $0x3;
	s9 =	sadd.s32 s6, s3;
	s6 =	sadd.s32 s8, s4  }
0xf: {  	s10 =	simm.s32 $0x0;
	s7 =	sor.u32 s12, s7;
	s8 =	sadd.s32 $0x4000, s6  }
0x10: {  	s7 =	sshrl.u32 s7, $0x3;
	s18 =	sadd.s32 $0x8000, s6;
	[dreg:$0x5] =	wrdreg s8  }
0x11: {  	s12 =	sadd.s32 s2, s19;
	s11 =	sadd.s32 $0xC000, s6;
	[dreg:$0x6] =	wrdreg s18  }
0x12: {  	s3 =	sadd.s32 s7, s3;
	s20 =	sadd.s32 $0x10000, s6;
	[dreg:$0x7] =	wrdreg s11  }
0x13: {  	s7 =	ssub.s32 s15, s16;
	s21 =	sadd.s32 $0x30, s12;
	[dreg:$0x8] =	wrdreg s20  }
0x14: {  	s23 =	sadd.s32 $0x20, s12;
	s16 =	sadd.s32 s13, s1;
	[dreg:$0xa] =	wrdreg s21  }
0x15: {  	s11 =	sadd.s32 $0x10, s2;
	[dreg:$0xb] =	wrdreg s23;
	s26 =	sadd.s32 $0x180, s16  }
0x16: {  	s20 =	sadd.s32 $0x52200, s3;
	s21 =	smax.u32 s7, $0x1;
	s23 =	simm.s32 $0x200  }
0x17: {  	s3 =	simm.s32 $0x8200;
	s7 =	simm.s32 $0x1;
	s8 =	sadd.s32 s19, s11  }
0x18: {  	s19 =	sadd.s32 $0x2200, s9;
	s1 =	sshrl.u32 s26, $0x2;
	s26 =	simm.s32 $0x180  }
0x19: {  	s9 =	simm.s32 $0x6;
	[dreg:$0x9] =	wrdreg s8;
	s8 =	sadd.s32 s22, s2  }
0x1a: {  	s14 =	sadd.s32 s1, s11;
	s1 =	simm.s32 $0x5;
	s24 =	sadd.s32 $0x13810, s8  }
0x1b: {  	s25 =	sadd.s32 $0x13800, s8;
	s8 =	simm.s32 $0x4;
	[dreg:$0xc] =	wrdreg s24  }
0x1c: {  	v0 =	vimm.f32 $0.0e+00;
	v1 =	vimm.f32 $1.000000000e+00;
	[dreg:$0xd] =	wrdreg s25;
	s24 =	simm.s32 $0x7;
	s25 =	simm.s32 $0x80  }
.LBB2_1:
0x1d: {  	s13 =	simm.s32 $0x0;
	s22 =	simm.s32 $0x200  }
.LBB2_2:
0x1e: {  	p1 =	sne.s32 s22, $0xFE00;
	[tilespmem:s13+$0x270] =	vst v0  }
0x1f: {  	[tilespmem:s13+$0x200] =	vst v0  }
0x20: {  	[tilespmem:s13+$0x210] =	vst v0  }
.Ltmp0:
0x21: {  	[tilespmem:s13+$0x220] =	vst v0;
	(pc) =	sbr.rel @p1 .LBB2_2-.Ltmp0, $4  }
0x22: {  	[tilespmem:s13+$0x230] =	vst v0  }
0x23: {  	[tilespmem:s13+$0x240] =	vst v0  }
0x24: {  	[tilespmem:s13+$0x250] =	vst v0  }
0x25: {  	[tilespmem:s13+$0x260] =	vst v0;
	s13 =	sshra.s32 s22, $0x2;
	s22 =	sadd.s32 $0x200, s22  }
0x26: {  	[tilespmem:s13+$0x270] =	vst v0  }
0x27: {  	[tilespmem:s13+$0x200] =	vst v0  }
0x28: {  	[tilespmem:s13+$0x210] =	vst v0  }
0x29: {  	[tilespmem:s13+$0x220] =	vst v0  }
0x2a: {  	[tilespmem:s13+$0x230] =	vst v0  }
0x2b: {  	[tilespmem:s13+$0x240] =	vst v0  }
0x2c: {  	[tilespmem:s13+$0x250] =	vst v0  }
0x2d: {  	[tilespmem:s13+$0x260] =	vst v0;
	s13 =	simm.s32 $0x40;
	s22 =	simm.s32 $0x0  }
.LBB2_4:
0x2e: {  	p1 =	sne.s32 s13, $0x9FC0;
	[tilespmem:s22+$0x8200] =	vst v0;
	s22 =	smov.u32 s13;
	s13 =	sadd.s32 $0x40, s13  }
.Ltmp1:
0x2f: {  	(pc) =	sbr.rel @p1 .LBB2_4-.Ltmp1, $2  }
0x30: {  	_ =	sdelay $0x2  }
0x31: {  	s22 =	sshra.s32 s22, $0x2  }
0x32: {  	[tilespmem:s22+$0x8200] =	vst v0  }
0x33: {  	[spmem:s6] =	stream.linear.scatter [tilespmem:s23], [sflag:$0x7], $0x4000, $0x38;
	[tilespmem:$0x1EA00] =	vst v63  }
0x34: {  	_ =	swait.ge [sflag:s24], $0x4000  }
0x35: {  	[sflag:s24] =	ssyncset.done $0x0  }
0x36: {  	s13 =	rddreg [dreg:$0x5];
	[sflag:s24] =	ssyncadd.s32 $0xFFFFC000  }
0x37: {  	[spmem:s13] =	stream.linear.scatter [tilespmem:s23], [sflag:$0x7], $0x4000, $0x38;
	[tilespmem:$0x1EA00] =	vst v63  }
0x38: {  	_ =	swait.ge [sflag:s24], $0x4000  }
0x39: {  	[sflag:s24] =	ssyncset.done $0x0  }
0x3a: {  	s22 =	rddreg [dreg:$0x6];
	[sflag:s24] =	ssyncadd.s32 $0xFFFFC000  }
0x3b: {  	[spmem:s22] =	stream.linear.scatter [tilespmem:s23], [sflag:$0x7], $0x4000, $0x38;
	[tilespmem:$0x1EA00] =	vst v63  }
0x3c: {  	_ =	swait.ge [sflag:s24], $0x4000  }
0x3d: {  	[sflag:s24] =	ssyncset.done $0x0  }
0x3e: {  	s15 =	rddreg [dreg:$0x7];
	[sflag:s24] =	ssyncadd.s32 $0xFFFFC000  }
0x3f: {  	[spmem:s15] =	stream.linear.scatter [tilespmem:s23], [sflag:$0x7], $0x4000, $0x38;
	[tilespmem:$0x1EA00] =	vst v63  }
0x40: {  	_ =	swait.ge [sflag:s24], $0x4000  }
0x41: {  	[sflag:s24] =	ssyncset.done $0x0  }
0x42: {  	s17 =	rddreg [dreg:$0x8];
	[sflag:s24] =	ssyncadd.s32 $0xFFFFC000  }
0x43: {  	[spmem:s17] =	stream.linear.scatter [tilespmem:s23], [sflag:$0x7], $0x4000, $0x38;
	[tilespmem:$0x1EA00] =	vst v63  }
0x44: {  	_ =	swait.ge [sflag:s24], $0x4000  }
0x45: {  	[sflag:s24] =	ssyncset.done $0x0  }
0x46: {  	[sflag:s24] =	ssyncadd.s32 $0xFFFFC000  }
0x47: {  	[bflag:$0x0] =	sbarrier.arrive $0xFFFF  }
0x48: {  	s18 =	rddreg [dreg:$0x9]  }
0x49: {  	[tilespmem:s5], [sflag:$0x7] =	stream.linear.gather [hbm4b:s18+s5], $0x80, $0x38;
	[tilespmem:$0x1EA00] =	vst v63  }
0x4a: {  	_ =	swait.ge [sflag:s24], $0x80  }
0x4b: {  	[sflag:s24] =	ssyncset.done $0x0  }
0x4c: {  	s13 =	simm.s32 $0x100;
	[sflag:s24] =	ssyncadd.s32 $0xFFFFFF80  }
0x4d: {  	[tilespmem:s13], [sflag:$0x7] =	stream.linear.gather [hbm4b:s12+s5], $0x80, $0x38;
	[tilespmem:$0x1EA00] =	vst v63  }
0x4e: {  	_ =	swait.ge [sflag:s24], $0x80  }
0x4f: {  	[sflag:s24] =	ssyncset.done $0x0  }
0x50: {  	[sflag:s24] =	ssyncadd.s32 $0xFFFFFF80  }
0x51: {  	[tilespmem:s23], [sflag:$0x3] =	stream.indirect.gather [hbm4b:s0+s25], $0x80, s5, s25, $0xb8;
	[tilespmem:$0x1EA00] =	vst v63  }
0x52: {  	s15 =	rddreg [dreg:$0xa]  }
0x53: {  	[tilespmem:s25], [sflag:$0x2] =	stream.linear.gather [hbm4b:s15+s5], $0x80, $0x38;
	[tilespmem:$0x1EA00] =	vst v63  }
0x54: {  	s22 =	rddreg [dreg:$0xb]  }
0x55: {  	[tilespmem:s26], [sflag:$0x2] =	stream.linear.gather [hbm4b:s22+s5], $0x80, $0x38;
	[tilespmem:$0x1EA00] =	vst v63  }
0x56: {  	s22 =	smov.u32 s14  }
.LBB2_6:
0x57: {  	_ =	swait.ge [sflag:s28], $0x80  }
0x58: {  	[sflag:s28] =	ssyncset.done $0x0  }
0x59: {  	[sflag:s28] =	ssyncadd.s32 $0xFFFFFF80  }
0x5a: {  	_ =	swait.ge [sflag:s28], $0x80  }
0x5b: {  	[sflag:s28] =	ssyncset.done $0x0  }
0x5c: {  	[sflag:s28] =	ssyncadd.s32 $0xFFFFFF80  }
0x5d: {  	[tilespmem:s29], [sflag:$0x4] =	stream.indirect.gather [hbm4b:s0+s25], $0x80, s25, s25, $0xb8;
	[tilespmem:$0x1EA00] =	vst v63  }
0x5e: {  	_ =	swait.ge [sflag:s30], $0x4000  }
0x5f: {  	[sflag:s30] =	ssyncset.done $0x0  }
0x60: {  	[sflag:s30] =	ssyncadd.s32 $0xFFFFC000  }
0x61: {  	[spmem:s4] =	stream.indirect.scatter.add.f32 [tilespmem:s23], [sflag:$0x5], $0x80, s31, s25, $0xb8;
	[tilespmem:$0x1EA00] =	vst v63  }
0x62: {  	v2 =	vld [tilespmem:$0x100];
	_ =	sdelay $0x7  }
0x63: {  	[tilespmem:v2+s3+$0x0] =	vst.idx.add.f32.msk $0xffff, v1  }
0x64: {  	v2 =	vld [tilespmem:$0x110];
	_ =	sdelay $0x7  }
0x65: {  	[tilespmem:v2+s3+$0x0] =	vst.idx.add.f32.msk $0xffff, v1  }
0x66: {  	v2 =	vld [tilespmem:$0x120];
	_ =	sdelay $0x7  }
0x67: {  	[tilespmem:v2+s3+$0x0] =	vst.idx.add.f32.msk $0xffff, v1  }
0x68: {  	v2 =	vld [tilespmem:$0x130];
	_ =	sdelay $0x7  }
0x69: {  	[tilespmem:v2+s3+$0x0] =	vst.idx.add.f32.msk $0xffff, v1  }
0x6a: {  	v2 =	vld [tilespmem:$0x140];
	_ =	sdelay $0x7  }
0x6b: {  	[tilespmem:v2+s3+$0x0] =	vst.idx.add.f32.msk $0xffff, v1  }
0x6c: {  	v2 =	vld [tilespmem:$0x150];
	_ =	sdelay $0x7  }
0x6d: {  	[tilespmem:v2+s3+$0x0] =	vst.idx.add.f32.msk $0xffff, v1  }
0x6e: {  	v2 =	vld [tilespmem:$0x160];
	_ =	sdelay $0x7  }
0x6f: {  	[tilespmem:v2+s3+$0x0] =	vst.idx.add.f32.msk $0xffff, v1  }
0x70: {  	v2 =	vld [tilespmem:$0x170];
	_ =	sdelay $0x7  }
0x71: {  	[tilespmem:v2+s3+$0x0] =	vst.idx.add.f32.msk $0xffff, v1  }
0x72: {  	s15 =	sadd.s32 s13, s16;
	_ =	swait.ge [sflag:s1], $0x4000  }
0x73: {  	s15 =	sshrl.u32 s15, $0x2;
	[sflag:s1] =	ssyncset.done $0x0  }
0x74: {  	s17 =	sadd.s32 s15, s11;
	[sflag:s1] =	ssyncadd.s32 $0xFFFFC000  }
0x75: {  	[tilespmem:s5], [sflag:$0x1] =	stream.linear.gather [hbm4b:s17+s5], $0x80, $0x38;
	[tilespmem:$0x1EA00] =	vst v63  }
0x76: {  	s15 =	sadd.s32 s2, s15  }
0x77: {  	[tilespmem:s31], [sflag:$0x1] =	stream.linear.gather [hbm4b:s15+s5], $0x80, $0x38;
	[tilespmem:$0x1EA00] =	vst v63  }
0x78: {  	_ =	swait.ge [sflag:s7], $0x80  }
0x79: {  	[sflag:s7] =	ssyncset.done $0x0  }
0x7a: {  	[sflag:s7] =	ssyncadd.s32 $0xFFFFFF80  }
0x7b: {  	_ =	swait.ge [sflag:s7], $0x80  }
0x7c: {  	[sflag:s7] =	ssyncset.done $0x0  }
0x7d: {  	[sflag:s7] =	ssyncadd.s32 $0xFFFFFF80  }
0x7e: {  	[tilespmem:s23], [sflag:$0x3] =	stream.indirect.gather [hbm4b:s0+s25], $0x80, s5, s25, $0xb8;
	[tilespmem:$0x1EA00] =	vst v63  }
0x7f: {  	_ =	swait.ge [sflag:s8], $0x4000  }
0x80: {  	[sflag:s8] =	ssyncset.done $0x0  }
0x81: {  	[sflag:s8] =	ssyncadd.s32 $0xFFFFC000  }
0x82: {  	[spmem:s4] =	stream.indirect.scatter.add.f32 [tilespmem:s29], [sflag:$0x6], $0x80, s26, s25, $0xb8;
	[tilespmem:$0x1EA00] =	vst v63  }
0x83: {  	v2 =	vld [tilespmem:$0x180];
	_ =	sdelay $0x7  }
0x84: {  	[tilespmem:v2+s3+$0x0] =	vst.idx.add.f32.msk $0xffff, v1  }
0x85: {  	v2 =	vld [tilespmem:$0x190];
	_ =	sdelay $0x7  }
0x86: {  	[tilespmem:v2+s3+$0x0] =	vst.idx.add.f32.msk $0xffff, v1  }
0x87: {  	v2 =	vld [tilespmem:$0x1A0];
	_ =	sdelay $0x7  }
0x88: {  	[tilespmem:v2+s3+$0x0] =	vst.idx.add.f32.msk $0xffff, v1  }
0x89: {  	v2 =	vld [tilespmem:$0x1B0];
	_ =	sdelay $0x7  }
0x8a: {  	[tilespmem:v2+s3+$0x0] =	vst.idx.add.f32.msk $0xffff, v1  }
0x8b: {  	v2 =	vld [tilespmem:$0x1C0];
	_ =	sdelay $0x7  }
0x8c: {  	[tilespmem:v2+s3+$0x0] =	vst.idx.add.f32.msk $0xffff, v1  }
0x8d: {  	v2 =	vld [tilespmem:$0x1D0];
	_ =	sdelay $0x7  }
0x8e: {  	[tilespmem:v2+s3+$0x0] =	vst.idx.add.f32.msk $0xffff, v1  }
0x8f: {  	v2 =	vld [tilespmem:$0x1E0];
	_ =	sdelay $0x7  }
0x90: {  	[tilespmem:v2+s3+$0x0] =	vst.idx.add.f32.msk $0xffff, v1  }
0x91: {  	v2 =	vld [tilespmem:$0x1F0];
	_ =	sdelay $0x7  }
0x92: {  	[tilespmem:v2+s3+$0x0] =	vst.idx.add.f32.msk $0xffff, v1  }
0x93: {  	p1 =	sne.s32 s13, $0x2700;
	_ =	swait.ge [sflag:s9], $0x4000  }
.Ltmp2:
0x94: {  	[sflag:s9] =	ssyncset.done $0x0;
	(pc) =	sbr.rel @p1 .LBB2_6-.Ltmp2, $4  }
0x95: {  	[sflag:s9] =	ssyncadd.s32 $0xFFFFC000  }
0x96: {  	[tilespmem:s25], [sflag:$0x2] =	stream.linear.gather [hbm4b:s22+s5], $0x80, $0x38;
	[tilespmem:$0x1EA00] =	vst v63  }
0x97: {  	s18 =	sadd.s32 $0xFFFFFFF0, s22;
	s13 =	sadd.s32 $0x100, s13;
	s22 =	sadd.s32 $0x40, s22  }
0x98: {  	[tilespmem:s26], [sflag:$0x2] =	stream.linear.gather [hbm4b:s18+s5], $0x80, $0x38;
	[tilespmem:$0x1EA00] =	vst v63  }
0x99: {  	_ =	swait.ge [sflag:s30], $0x4000  }
0x9a: {  	[sflag:s30] =	ssyncset.done $0x0  }
0x9b: {  	[sflag:s30] =	ssyncadd.s32 $0xFFFFC000  }
0x9c: {  	_ =	swait.ge [sflag:s28], $0x80  }
0x9d: {  	[sflag:s28] =	ssyncset.done $0x0  }
0x9e: {  	[sflag:s28] =	ssyncadd.s32 $0xFFFFFF80  }
0x9f: {  	_ =	swait.ge [sflag:s28], $0x80  }
0xa0: {  	[sflag:s28] =	ssyncset.done $0x0  }
0xa1: {  	s13 =	simm.s32 @!p0 $0x0;
	s15 =	rddreg [dreg:$0xc];
	[sflag:s28] =	ssyncadd.s32 $0xFFFFFF80  }
0xa2: {  	[tilespmem:s13], [sflag:$0x7] =	stream.linear.gather @!p0 [hbm4b:s15+s13], $0x80, $0x38;
	[tilespmem:$0x1EA00] =	vst v63  }
0xa3: {  	s15 =	simm.s32 @!p0 $0x7  }
0xa4: {  	_ =	swait.ge @!p0 [sflag:s15], $0x80  }
0xa5: {  	[sflag:s15] =	ssyncset.done @!p0 $0x0  }
0xa6: {  	s17 =	simm.s32 @!p0 $0x100;
	s18 =	rddreg [dreg:$0xd];
	[sflag:s15] =	ssyncadd.s32 @!p0 $0xFFFFFF80  }
0xa7: {  	[tilespmem:s17], [sflag:$0x7] =	stream.linear.gather @!p0 [hbm4b:s18+s13], $0x80, $0x38;
	[tilespmem:$0x1EA00] =	vst v63  }
0xa8: {  	_ =	swait.ge @!p0 [sflag:s15], $0x80  }
0xa9: {  	[sflag:s15] =	ssyncset.done @!p0 $0x0  }
0xaa: {  	s22 =	simm.s32 @!p0 $0x80;
	s18 =	simm.s32 @!p0 $0x200;
	[sflag:s15] =	ssyncadd.s32 @!p0 $0xFFFFFF80  }
0xab: {  	[tilespmem:s18], [sflag:$0x7] =	stream.indirect.gather @!p0 [hbm4b:s0+s22], $0x80, s13, s22, $0xb8;
	[tilespmem:$0x1EA00] =	vst v63  }
0xac: {  	_ =	swait.ge @!p0 [sflag:s15], $0x4000  }
0xad: {  	[sflag:s15] =	ssyncset.done @!p0 $0x0  }
0xae: {  	[sflag:s15] =	ssyncadd.s32 @!p0 $0xFFFFC000  }
0xaf: {  	[spmem:s4] =	stream.indirect.scatter.add.f32 @!p0 [tilespmem:s18], [sflag:$0x5], $0x80, s17, s22, $0xb8;
	[tilespmem:$0x1EA00] =	vst v63  }
0xb0: {  	v2 =	vld @!p0 [tilespmem:$0x100];
	_ =	sdelay $0x6  }
0xb1: {  	v3 =	vimm.f32 @!p0 $1.000000000e+00;
	s13 =	simm.s32 @!p0 $0x8200  }
0xb2: {  	[tilespmem:v2+s13+$0x0] =	vst.idx.add.f32.msk @!p0 $0xffff, v3  }
0xb3: {  	v2 =	vld @!p0 [tilespmem:$0x110];
	_ =	sdelay $0x7  }
0xb4: {  	[tilespmem:v2+s13+$0x0] =	vst.idx.add.f32.msk @!p0 $0xffff, v3  }
0xb5: {  	v2 =	vld @!p0 [tilespmem:$0x120];
	_ =	sdelay $0x7  }
0xb6: {  	[tilespmem:v2+s13+$0x0] =	vst.idx.add.f32.msk @!p0 $0xffff, v3  }
0xb7: {  	v2 =	vld @!p0 [tilespmem:$0x130];
	_ =	sdelay $0x7  }
0xb8: {  	[tilespmem:v2+s13+$0x0] =	vst.idx.add.f32.msk @!p0 $0xffff, v3  }
0xb9: {  	v2 =	vld @!p0 [tilespmem:$0x140];
	_ =	sdelay $0x7  }
0xba: {  	[tilespmem:v2+s13+$0x0] =	vst.idx.add.f32.msk @!p0 $0xffff, v3  }
0xbb: {  	v2 =	vld @!p0 [tilespmem:$0x150];
	_ =	sdelay $0x7  }
0xbc: {  	[tilespmem:v2+s13+$0x0] =	vst.idx.add.f32.msk @!p0 $0xffff, v3  }
0xbd: {  	v2 =	vld @!p0 [tilespmem:$0x160];
	_ =	sdelay $0x7  }
0xbe: {  	[tilespmem:v2+s13+$0x0] =	vst.idx.add.f32.msk @!p0 $0xffff, v3  }
0xbf: {  	v2 =	vld @!p0 [tilespmem:$0x170];
	_ =	sdelay $0x7  }
0xc0: {  	[tilespmem:v2+s13+$0x0] =	vst.idx.add.f32.msk @!p0 $0xffff, v3;
	s13 =	simm.s32 @!p0 $0x5  }
0xc1: {  	_ =	swait.ge @!p0 [sflag:s13], $0x4000  }
0xc2: {  	s17 =	stileid.u32;
	[sflag:s13] =	ssyncset.done @!p0 $0x0  }
0xc3: {  	[sflag:s13] =	ssyncadd.s32 @!p0 $0xFFFFC000;
	s13 =	sshll.u32 s17, $0x6  }
0xc4: {  	s18 =	sshrl.u32 s6, $0x3;
	[bflag:$0x0] =	sbarrier.arrive $0xFFFF;
	s13 =	sor.u32 $0x1C07, s13  }
0xc5: {  	[hbm:s19], [sflag:s13] =	dma.local [spmem:s18], $0x2800  }
0xc6: {  	s10 =	sadd.s32 $0x1, s10;
	_ =	swait.ge [sflag:s24], $0x2800  }
0xc7: {  	p1 =	sne.s32 s10, s21;
	[sflag:s24] =	ssyncset.done $0x0  }
.Ltmp3:
0xc8: {  	s22 =	simm.s32 $0x400;
	[sflag:s24] =	ssyncadd.s32 $0xFFFFD800;
	(pc) =	sbr.rel @p1 .LBB2_1-.Ltmp3, $4  }
0xc9: {  	[hbm4b:s20+s25] =	stream.strided.scatter [tilespmem:s3], [sflag:$0x7], $0x2800, s22, s25, $0x38;
	[tilespmem:$0x1EA00] =	vst v63  }
0xca: {  	_ =	swait.ge [sflag:s24], $0x2800  }
0xcb: {  	[sflag:s24] =	ssyncset.done $0x0  }
0xcc: {  	[sflag:s24] =	ssyncadd.s32 $0xFFFFD800  }
0xcd: {  	_ =	sfence.sel $0x180000  }
0xce: {  	[bflag:$0x0] =	sbarrier.arrive $0xFFFF  }
0xcf: {  	_ =	strace $0x9000004A  }
0xd0: {  	s0 =	stileid.u32;
	[bflag:$0x2] =	sbarrier.arrive $0xFFFF  }
0xd1: {  	p0 =	sne.s32 s0, $0x0;
	s0 =	rddreg [dreg:$0x4]  }
0xd2: {  	s0 =	sadd.s32 @!p0 $0x100000, s0  }
0xd3: {  	[sflag:s0] =	ssyncadd.tile.s32 @!p0 $0x1;
	_ =	shalt  }
.Lfunc_end2:
_tile_overlayer_lowered:
.L_overlay_start_2:
0xd4: {  	(tag) =	ssettag $0x2  }
0xd5: {  	s0 =	rddreg [dreg:$0x0];
	s2 =	stileid.u32  }
0xd6: {  	s1 =	rddreg [dreg:$0x1];
	p0 =	sne.s32 s2, $0x0  }
0xd7: {  	s3 =	rddreg [dreg:$0x2];
	[bflag:$0x3] =	sbarrier.arrive $0xFFFF;
	s2 =	simm.s32 @!p0 $0x1C07  }
0xd8: {  	[timem:s3], [sflag:s2] =	dma.local @!p0 [hbm:s0], s1  }
0xd9: {  	s0 =	simm.s32 @!p0 $0x7  }
0xda: {  	_ =	swait.ge @!p0 [sflag:s0], s1  }
0xdb: {  	s1 =	ssub.s32 @!p0 $0x0, s1;
	[sflag:s0] =	ssyncset.done @!p0 $0x0  }
0xdc: {  	[sflag:s0] =	ssyncadd.s32 @!p0 s1  }
0xdd: {  	[bflag:$0x3] =	sbarrier.arrive $0xFFFF  }
0xde: {  	_ =	shalt  }

// kernel: kernel.7.cloned.1.call-start
scs
__scs_entry_jumppad:
0x0: {  	(pc) =	sbr.rel $0x88, $3  }
0x1: {  	(tag) =	ssettag $0x0;
	lr =	simm.s32 $0x1  }
0x2: {  	[smem:$0x3F9D] =	sst lr;
	_ =	strace $0xD0000000  }
0x3: {  	_ = 	snop  }
0x4: {  	_ = 	snop  }
0x5: {  	_ = 	snop  }
0x6: {  	_ = 	snop  }
0x7: {  	_ = 	snop  }
__scs_overlays_trampoline_lowered:
0x8: {  	[smem:$0x3FAC] =	sst s0  }
0x9: {  	[smem:$0x3FAD] =	sst s1  }
0xa: {  	[smem:$0x3FAE] =	sst s2  }
0xb: {  	[smem:$0x3FAF] =	sst s3  }
0xc: {  	[smem:$0x3FB0] =	sst s4  }
0xd: {  	[smem:$0x3FB1] =	sst s5  }
0xe: {  	[smem:$0x3FB2] =	sst s6  }
0xf: {  	[smem:$0x3FB3] =	sst s7  }
0x10: {  	[smem:$0x3FB4] =	sst s8  }
0x11: {  	[smem:$0x3FB5] =	sst s9;
	s0 =	simm.s32 @!p0 $0x0  }
0x12: {  	s1 =	sld [smem:$0x3F9B];
	s0 =	simm.s32 @p0 $0x1  }
0x13: {  	[smem:$0x3FB6] =	sst s0;
	s0 =	simm.s32 @!p1 $0x0  }
0x14: {  	s2 =	sld [smem:$0x3F9A];
	s0 =	simm.s32 @p1 $0x1  }
0x15: {  	[smem:$0x3FB7] =	sst s0;
	s0 =	simm.s32 @!p2 $0x0  }
0x16: {  	s3 =	sld [smem:$0x3FDB];
	s0 =	simm.s32 @p2 $0x1  }
0x17: {  	s4 =	simm.s32 $0x1BF5;
	[smem:$0x3FB9] =	sst s0  }
0x18: {  	s0 =	sld [smem:$0x3F9C];
	_ =	swait.ge [sflag:s4], $0x0  }
0x19: {  	s7 =	sld [smem:$0x3F9D]  }
0x1a: {  	s8 =	sadd.s32 $0xFFFFE003, lr  }
0x1b: {  	s9 =	sadd.s32 $0xFFFFFEF7, lr;
	s5 =	simm.s32 $0xFFFFFFFF;
	p2 =	slt.u32 s8, $0xFFFFF086  }
0x1c: {  	p1 =	slt.u32 s9, $0xF7A;
	s5 =	simm.s32 @!p2 $0x0  }
0x1d: {  	s5 =	simm.s32 @p1 $0x1;
	p0 =	seq.s32 s7, s2  }
0x1e: {  	s7 =	smul.u32 @!p0 $0xF7A, s2;
	p2 =	seq.s32 @!p0 s5, $0x0  }
0x1f: {  	s9 =	smul.u32 $0xF7A, s1;
	s8 =	simm.s32 @!p0 $0x1BF5;
	p2 =	por !p2, p0  }
0x20: {  	[sflag:s8] =	ssyncset.s32 @!p0 $0xFFFFF086;
	s6 =	sadd.s32 @!p0 s3, s7;
	s7 =	simm.s32 @!p0 $0x108  }
0x21: {  	s3 =	sadd.s32 s3, s9;
	s6 =	sadd.s32 @!p0 $0x88, s6;
	s7 =	simm.s32 @p2 $0x1082  }
0x22: {  	[simem:s7], [sflag:s8] =	dma.local @!p0 [hbm:s6], $0xF7A  }
0x23: {  	s9 =	sor.u32 $0xD0000000, s2;
	s6 =	simm.s32 $0x108;
	_ =	swait.ge @!p0 [sflag:s8], $0x0  }
0x24: {  	s3 =	sadd.s32 $0x88, s3;
	s6 =	simm.s32 @!p1 $0x1082;
	[sflag:s4] =	ssyncset.s32 $0xFFFFF086  }
0x25: {  	[simem:s6], [sflag:s4] =	dma.local [hbm:s3], $0xF7A  }
0x26: {  	[smem:$0x3F9D] =	sst s1;
	(tag) =	ssettag s2;
	_ =	strace s9  }
0x27: {  	s1 =	sld [smem:$0x3FAD]  }
0x28: {  	s2 =	sld [smem:$0x3FAE]  }
0x29: {  	s4 =	sld [smem:$0x3FB0]  }
0x2a: {  	p0 =	seq.s32 s5, $0x0;
	s5 =	sld [smem:$0x3FB1]  }
0x2b: {  	s6 =	sld [smem:$0x3FB2]  }
0x2c: {  	s7 =	sld [smem:$0x3FB3]  }
0x2d: {  	s3 =	simm.s32 $0x108;
	s8 =	sld [smem:$0x3FB4]  }
0x2e: {  	s3 =	simm.s32 @!p0 $0x1082;
	s9 =	sld [smem:$0x3FB5]  }
0x2f: {  	lr =	sadd.s32 s0, s3;
	s0 =	sld [smem:$0x3FAC]  }
0x30: {  	s3 =	sld [smem:$0x3FAF]  }
0x31: {  	[smem:$0x3FB8] =	sst s10  }
0x32: {  	s10 =	sld [smem:$0x3FB6];
	_ =	sdelay $0x3  }
0x33: {  	p0 =	seq.s32 s10, $0x1;
	s10 =	sld [smem:$0x3FB8];
	_ =	sdelay $0x3  }
0x34: {  	[smem:$0x3FB8] =	sst s10  }
0x35: {  	s10 =	sld [smem:$0x3FB7];
	_ =	sdelay $0x3  }
0x36: {  	p1 =	seq.s32 s10, $0x1;
	s10 =	sld [smem:$0x3FB8];
	_ =	sdelay $0x3  }
0x37: {  	[smem:$0x3FB8] =	sst s10  }
0x38: {  	s10 =	sld [smem:$0x3FB9]  }
0x39: {  	_ = 	snop;
	(pc) =	sbr.ind lr, $3  }
0x3a: {  	_ = 	snop  }
0x3b: {  	_ = 	snop  }
0x3c: {  	p2 =	seq.s32 s10, $0x1;
	s10 =	sld [smem:$0x3FB8]  }
0x3d: {  	_ =	shalt  }
0x3e: {  	_ =	shalt  }
0x3f: {  	_ =	shalt  }
0x40: {  	_ =	shalt  }
0x41: {  	_ =	shalt  }
0x42: {  	_ =	shalt  }
0x43: {  	_ =	shalt  }
0x44: {  	_ =	shalt  }
0x45: {  	_ =	shalt  }
0x46: {  	_ =	shalt  }
0x47: {  	_ =	shalt  }
0x48: {  	_ =	shalt  }
0x49: {  	_ =	shalt  }
0x4a: {  	_ =	shalt  }
0x4b: {  	_ =	shalt  }
0x4c: {  	_ =	shalt  }
0x4d: {  	_ =	shalt  }
0x4e: {  	_ =	shalt  }
0x4f: {  	_ =	shalt  }
0x50: {  	_ =	shalt  }
0x51: {  	_ =	shalt  }
0x52: {  	_ =	shalt  }
0x53: {  	_ =	shalt  }
0x54: {  	_ =	shalt  }
0x55: {  	_ =	shalt  }
0x56: {  	_ =	shalt  }
0x57: {  	_ =	shalt  }
0x58: {  	_ =	shalt  }
0x59: {  	_ =	shalt  }
0x5a: {  	_ =	shalt  }
0x5b: {  	_ =	shalt  }
0x5c: {  	_ =	shalt  }
0x5d: {  	_ =	shalt  }
0x5e: {  	_ =	shalt  }
0x5f: {  	_ =	shalt  }
0x60: {  	_ =	shalt  }
0x61: {  	_ =	shalt  }
0x62: {  	_ =	shalt  }
0x63: {  	_ =	shalt  }
0x64: {  	_ =	shalt  }
0x65: {  	_ =	shalt  }
0x66: {  	_ =	shalt  }
0x67: {  	_ =	shalt  }
0x68: {  	_ =	shalt  }
0x69: {  	_ =	shalt  }
0x6a: {  	_ =	shalt  }
0x6b: {  	_ =	shalt  }
0x6c: {  	_ =	shalt  }
0x6d: {  	_ =	shalt  }
0x6e: {  	_ =	shalt  }
0x6f: {  	_ =	shalt  }
0x70: {  	_ =	shalt  }
0x71: {  	_ =	shalt  }
0x72: {  	_ =	shalt  }
0x73: {  	_ =	shalt  }
0x74: {  	_ =	shalt  }
0x75: {  	_ =	shalt  }
0x76: {  	_ =	shalt  }
0x77: {  	_ =	shalt  }
0x78: {  	_ =	shalt  }
0x79: {  	_ =	shalt  }
0x7a: {  	_ =	shalt  }
0x7b: {  	_ =	shalt  }
0x7c: {  	_ =	shalt  }
0x7d: {  	_ =	shalt  }
0x7e: {  	_ =	shalt  }
0x7f: {  	_ =	shalt  }
0x80: {  	_ =	shalt  }
0x81: {  	_ =	shalt  }
0x82: {  	_ =	shalt  }
0x83: {  	_ =	shalt  }
0x84: {  	_ =	shalt  }
0x85: {  	_ =	shalt  }
0x86: {  	_ =	shalt  }
0x87: {  	_ =	shalt  }
.Lfunc_end0:
.L_simem_size_0:
called_computation_lowered:
.L_overlay_start_0:
0x88: {  	s2 =	sld [smem:$0x3FD9]  }
0x89: {  	s3 =	sld [smem:$0x3FFE];
	_ =	sdelay $0x1  }
0x8a: {  	s1 =	srdreg.scid  }
0x8b: {  	s0 =	sand.u32 $0x1, s1  }
0x8c: {  	s17 =	sshll.u32 s0, $0xA;
	s2 =	sadd.s32 s3, s2  }
0x8d: {  	s2 =	sadd.s32 s2, s17  }
0x8e: {  	[smem:$0x3FC4] =	sst s2  }
0x8f: {  	_ = 	snop  }
0x90: {  	s2 =	sld [smem:$0x3FC8]  }
0x91: {  	s18 =	sld [smem:$0x3FD0];
	(tm) =	ssettm $0x1  }
0x92: {  	s4 =	sld [smem:$0x3FFB];
	_ =	sdelay $0x3  }
0x93: {  	_ =	strace s4  }
0x94: {  	s4 =	sld [smem:$0x3FFC];
	_ =	sdelay $0x3  }
0x95: {  	_ =	strace s4  }
0x96: {  	s4 =	sld [smem:$0x3FFD];
	_ =	sdelay $0x3  }
0x97: {  	_ =	strace s4  }
0x98: {  	_ =	strace $0x8FFFFFFF  }
0x99: {  	s19 =	sld [smem:$0x3FDB];
	_ =	sdelay $0x1  }
0x9a: {  	s5 =	simm.s32 $_scs_section_size  }
0x9b: {  	s6 =	simm.s32 $_size__tile_overlayer_lowered;
	s7 =	simm.s32 $_tile_overlayer_lowered  }
0x9c: {  	s22 =	simm.s32 $0x1BFF;
	s21 =	sshll.u32 s7, $0x1;
	s4 =	sadd.s32 s5, s19  }
0x9d: {  	s8 =	simm.s32 $0x0;
	s20 =	sshll.u32 s6, $0x1;
	s6 =	sadd.s32 s21, s4  }
0x9e: {  	[timem:s8], [sflag:s22] =	dma.local [hbm:s6], s20  }
0x9f: {  	_ =	swait.ge [sflag:s22], s20  }
0xa0: {  	s5 =	ssub.s32 $0x0, s20;
	[sflag:s22] =	ssyncset.done $0x0  }
0xa1: {  	[sflag:s22] =	ssyncadd.s32 s5;
	_ =	sdelay $0x1  }
0xa2: {  	s23 =	simm.s32 $0x1B8B  }
0xa3: {  	_ =	swait.ge [sflag:s23], $0x1  }
0xa4: {  	[sflag:s23] =	ssyncset.done $0x0  }
0xa5: {  	s25 =	simm.s32 $0x1B8E;
	s24 =	sld [smem:$0x3FFE];
	[sflag:s23] =	ssyncadd.s32 $0xFFFFFFFF  }
0xa6: {  	s26 =	simm.s32 $execute0_lowered;
	[smem:$0x3FD2] =	sst s25  }
0xa7: {  	s6 =	sshll.u32 s26, $0x1;
	_ =	strace $0x80000046;
	[dreg:$0x1] =	wrdreg $0xFFFFFFFF  }
0xa8: {  	s28 =	simm.s32 $_size_execute0_lowered;
	s4 =	sadd.s32 s4, s6;
	[dreg:$0x0] =	wrdreg $0x0  }
0xa9: {  	s6 =	sshll.u32 s28, $0x1;
	[dreg:$0x2] =	wrdreg s4  }
0xaa: {  	[dreg:$0x3] =	wrdreg s6  }
0xab: {  	[dreg:$0x4] =	wrdreg $0xC0  }
0xac: {  	_ =	task [dreg:s8], $0x5FFFF  }
0xad: {  	[dreg:$0x1] =	wrdreg $0xFFFFFFFF  }
0xae: {  	[dreg:$0x0] =	wrdreg $0x60  }
0xaf: {  	[dreg:$0x2] =	wrdreg s18  }
0xb0: {  	[dreg:$0x3] =	wrdreg s2  }
0xb1: {  	[dreg:$0x4] =	wrdreg s24  }
0xb2: {  	[dreg:$0x5] =	wrdreg $0xAA000  }
0xb3: {  	[dreg:$0x6] =	wrdreg $0x9  }
0xb4: {  	_ =	task.clear_ibuf [dreg:s8], $0x7FFFF;
	_ =	strace $0x90000046  }
0xb5: {  	s29 =	simm.s32 $0x9;
	_ =	strace $0x80000048  }
0xb6: {  	_ =	swait.ge [sflag:s29], $0x1  }
0xb7: {  	[sflag:s29] =	ssyncadd.s32 $0xFFFFFFFF  }
0xb8: {  	_ =	strace $0x90000048  }
0xb9: {  	_ =	sfence  }
0xba: {  	s30 =	sld [smem:$0x0];
	_ =	sdelay $0x2  }
0xbb: {  	s31 =	sshll.u32 s1, $0xD;
	s1 =	sshrl.u32 s1, $0x2  }
0xbc: {  	s3 =	sand.u32 $0x4000, s31;
	s1 =	sadd.s32 s1, s30  }
0xbd: {  	s0 =	sor.u32 s3, s0;
	s1 =	sshll.u32 s1, $0x11  }
0xbe: {  	s0 =	sor.u32 s1, s0  }
0xbf: {  	s0 =	sadd.s32 $0x8F2B, s0  }
0xc0: {  	[sflag:s0] =	ssyncadd.remote.s32 $0x1  }
0xc1: {  	_ =	sfence.sel $0xFFFF  }
0xc2: {  	[dreg:$0x0] =	wrdreg $0xFFFFFFFF;
	(pc) =	sbr.abs _section_cstart, $3  }
0xc3: {  	[dreg:$0x1] =	wrdreg $0xFFFFFFFF  }
0xc4: {  	_ =	task.clear_ibuf [dreg:s8], $0x2FFFF;
	_ =	strace $0x9FFFFFFF  }
0xc5: {  	(tm) =	ssettm $0x7FFFFFFF  }
tec
execute0_lowered:
.L_overlay_start_1:
0x0: {  	(tag) =	ssettag $0x1  }
0x1: {  	s0 =	rddreg [dreg:$0x0]  }
0x2: {  	s2 =	rddreg [dreg:$0x1];
	s1 =	srdreg.scid  }
0x3: {  	s3 =	rddreg [dreg:$0x2];
	s14 =	stileid.u32  }
0x4: {  	s4 =	rddreg [dreg:$0x3];
	s9 =	smul.u32 $0x14000, s14  }
0x5: {  	s28 =	simm.s32 $0x2;
	s1 =	sand.u32 $0x1, s1;
	s13 =	smul.u32 $0x50000, s14  }
0x6: {  	s29 =	simm.s32 $0x4200;
	s30 =	simm.s32 $0x3;
	s6 =	smul.u32 $0x140000, s1  }
0x7: {  	s31 =	simm.s32 $0x100;
	s5 =	sshrl.u32 s14, $0x3;
	s7 =	smul.u32 $0x28000, s1  }
0x8: {  	s10 =	sshll.u32 s14, $0x7;
	s22 =	sshll.u32 s14, $0x5;
	s8 =	smul.u32 $0x14000, s5  }
0x9: {  	s5 =	simm.s32 $0x0;
	s12 =	sand.u32 $0x380, s10;
	s15 =	ssub.s32 $0x2, s1  }
0xa: {  	s17 =	sshll.u32 s1, $0x4;
	s1 =	smul.u32 $0x27000, s1;
	[smem:$0x7FF] =	sst s5  }
0xb: {  	s16 =	sshrl.u32 s15, $0x1;
	s10 =	sor.u32 s14, s17;
	s7 =	sadd.s32 s7, s8  }
0xc: {  	_ =	strace $0x80000047;
	s6 =	sadd.s32 s9, s6;
	s19 =	smul.u32 $0x9C0, s10  }
0xd: {  	s8 =	sshrl.u32 s13, $0x2;
	s13 =	smul.u32 $0x2700, s14;
	s6 =	sshrl.u32 s6, $0x3  }
0xe: {  	p0 =	sgt.u32 s10, $0x3;
	s9 =	sadd.s32 s6, s3;
	s6 =	sadd.s32 s8, s4  }
0xf: {  	s10 =	simm.s32 $0x0;
	s7 =	sor.u32 s12, s7;
	s8 =	sadd.s32 $0x4000, s6  }
0x10: {  	s12 =	sadd.s32 $0x10, s2;
	s18 =	sadd.s32 $0x8000, s6;
	[dreg:$0x5] =	wrdreg s8  }
0x11: {  	s7 =	sshrl.u32 s7, $0x3;
	s11 =	sadd.s32 $0xC000, s6;
	[dreg:$0x6] =	wrdreg s18  }
0x12: {  	s3 =	sadd.s32 s7, s3;
	s20 =	sadd.s32 $0x10000, s6;
	[dreg:$0x7] =	wrdreg s11  }
0x13: {  	s7 =	ssub.s32 s15, s16;
	s16 =	sadd.s32 s13, s1;
	[dreg:$0x8] =	wrdreg s20  }
0x14: {  	s11 =	sadd.s32 s2, s19;
	s8 =	sadd.s32 s19, s12;
	s26 =	sadd.s32 $0x180, s16  }
0x15: {  	s19 =	sadd.s32 $0x2200, s9;
	s20 =	sadd.s32 $0x52200, s3;
	s3 =	simm.s32 $0x8200  }
0x16: {  	s9 =	simm.s32 $0x6;
	[dreg:$0x9] =	wrdreg s8;
	s21 =	sadd.s32 $0x20, s11  }
0x17: {  	s23 =	sadd.s32 $0x30, s11;
	s8 =	sadd.s32 s22, s2;
	[dreg:$0xa] =	wrdreg s21  }
0x18: {  	s1 =	sshrl.u32 s26, $0x2;
	s26 =	simm.s32 $0x180;
	[dreg:$0xb] =	wrdreg s23  }
0x19: {  	s24 =	sadd.s32 $0x13800, s8;
	s25 =	sadd.s32 $0x13810, s8;
	s21 =	smax.u32 s7, $0x1  }
0x1a: {  	s14 =	sadd.s32 s1, s12;
	s23 =	simm.s32 $0x200;
	s1 =	simm.s32 $0x5  }
0x1b: {  	s7 =	simm.s32 $0x1;
	s8 =	simm.s32 $0x4;
	[dreg:$0xc] =	wrdreg s24  }
0x1c: {  	v0 =	vimm.f32 $0.0e+00;
	v1 =	vimm.f32 $1.000000000e+00;
	[dreg:$0xd] =	wrdreg s25;
	s24 =	simm.s32 $0x7;
	s25 =	simm.s32 $0x80  }
.LBB2_1:
0x1d: {  	s13 =	simm.s32 $0x0;
	s22 =	simm.s32 $0x200  }
.LBB2_2:
0x1e: {  	p1 =	sne.s32 s22, $0xFE00;
	[tilespmem:s13+$0x270] =	vst v0  }
0x1f: {  	[tilespmem:s13+$0x200] =	vst v0  }
0x20: {  	[tilespmem:s13+$0x210] =	vst v0  }
.Ltmp0:
0x21: {  	[tilespmem:s13+$0x220] =	vst v0;
	(pc) =	sbr.rel @p1 .LBB2_2-.Ltmp0, $4  }
0x22: {  	[tilespmem:s13+$0x230] =	vst v0  }
0x23: {  	[tilespmem:s13+$0x240] =	vst v0  }
0x24: {  	[tilespmem:s13+$0x250] =	vst v0  }
0x25: {  	[tilespmem:s13+$0x260] =	vst v0;
	s13 =	sshra.s32 s22, $0x2;
	s22 =	sadd.s32 $0x200, s22  }
0x26: {  	[tilespmem:s13+$0x270] =	vst v0  }
0x27: {  	[tilespmem:s13+$0x200] =	vst v0  }
0x28: {  	[tilespmem:s13+$0x210] =	vst v0  }
0x29: {  	[tilespmem:s13+$0x220] =	vst v0  }
0x2a: {  	[tilespmem:s13+$0x230] =	vst v0  }
0x2b: {  	[tilespmem:s13+$0x240] =	vst v0  }
0x2c: {  	[tilespmem:s13+$0x250] =	vst v0  }
0x2d: {  	[tilespmem:s13+$0x260] =	vst v0;
	s13 =	simm.s32 $0x40;
	s22 =	simm.s32 $0x0  }
.LBB2_4:
0x2e: {  	p1 =	sne.s32 s13, $0x9FC0;
	[tilespmem:s22+$0x8200] =	vst v0;
	s22 =	smov.u32 s13;
	s13 =	sadd.s32 $0x40, s13  }
.Ltmp1:
0x2f: {  	(pc) =	sbr.rel @p1 .LBB2_4-.Ltmp1, $2  }
0x30: {  	_ =	sdelay $0x2  }
0x31: {  	s22 =	sshra.s32 s22, $0x2  }
0x32: {  	[tilespmem:s22+$0x8200] =	vst v0  }
0x33: {  	[spmem:s6] =	stream.linear.scatter [tilespmem:s23], [sflag:$0x7], $0x4000, $0x38;
	[tilespmem:$0x1EA00] =	vst v63  }
0x34: {  	_ =	swait.ge [sflag:s24], $0x4000  }
0x35: {  	[sflag:s24] =	ssyncset.done $0x0  }
0x36: {  	s13 =	rddreg [dreg:$0x5];
	[sflag:s24] =	ssyncadd.s32 $0xFFFFC000  }
0x37: {  	[spmem:s13] =	stream.linear.scatter [tilespmem:s23], [sflag:$0x7], $0x4000, $0x38;
	[tilespmem:$0x1EA00] =	vst v63  }
0x38: {  	_ =	swait.ge [sflag:s24], $0x4000  }
0x39: {  	[sflag:s24] =	ssyncset.done $0x0  }
0x3a: {  	s22 =	rddreg [dreg:$0x6];
	[sflag:s24] =	ssyncadd.s32 $0xFFFFC000  }
0x3b: {  	[spmem:s22] =	stream.linear.scatter [tilespmem:s23], [sflag:$0x7], $0x4000, $0x38;
	[tilespmem:$0x1EA00] =	vst v63  }
0x3c: {  	_ =	swait.ge [sflag:s24], $0x4000  }
0x3d: {  	[sflag:s24] =	ssyncset.done $0x0  }
0x3e: {  	s15 =	rddreg [dreg:$0x7];
	[sflag:s24] =	ssyncadd.s32 $0xFFFFC000  }
0x3f: {  	[spmem:s15] =	stream.linear.scatter [tilespmem:s23], [sflag:$0x7], $0x4000, $0x38;
	[tilespmem:$0x1EA00] =	vst v63  }
0x40: {  	_ =	swait.ge [sflag:s24], $0x4000  }
0x41: {  	[sflag:s24] =	ssyncset.done $0x0  }
0x42: {  	s17 =	rddreg [dreg:$0x8];
	[sflag:s24] =	ssyncadd.s32 $0xFFFFC000  }
0x43: {  	[spmem:s17] =	stream.linear.scatter [tilespmem:s23], [sflag:$0x7], $0x4000, $0x38;
	[tilespmem:$0x1EA00] =	vst v63  }
0x44: {  	_ =	swait.ge [sflag:s24], $0x4000  }
0x45: {  	[sflag:s24] =	ssyncset.done $0x0  }
0x46: {  	[sflag:s24] =	ssyncadd.s32 $0xFFFFC000  }
0x47: {  	[bflag:$0x0] =	sbarrier.arrive $0xFFFF  }
0x48: {  	[tilespmem:s5], [sflag:$0x7] =	stream.linear.gather [hbm4b:s11+s5], $0x80, $0x38;
	[tilespmem:$0x1EA00] =	vst v63  }
0x49: {  	_ =	swait.ge [sflag:s24], $0x80  }
0x4a: {  	[sflag:s24] =	ssyncset.done $0x0  }
0x4b: {  	s13 =	simm.s32 $0x100;
	s15 =	rddreg [dreg:$0x9];
	[sflag:s24] =	ssyncadd.s32 $0xFFFFFF80  }
0x4c: {  	[tilespmem:s13], [sflag:$0x7] =	stream.linear.gather [hbm4b:s15+s5], $0x80, $0x38;
	[tilespmem:$0x1EA00] =	vst v63  }
0x4d: {  	_ =	swait.ge [sflag:s24], $0x80  }
0x4e: {  	[sflag:s24] =	ssyncset.done $0x0  }
0x4f: {  	[sflag:s24] =	ssyncadd.s32 $0xFFFFFF80  }
0x50: {  	[tilespmem:s23], [sflag:$0x3] =	stream.indirect.gather [hbm4b:s0+s25], $0x80, s5, s25, $0xb8;
	[tilespmem:$0x1EA00] =	vst v63  }
0x51: {  	s18 =	rddreg [dreg:$0xa]  }
0x52: {  	[tilespmem:s25], [sflag:$0x2] =	stream.linear.gather [hbm4b:s18+s5], $0x80, $0x38;
	[tilespmem:$0x1EA00] =	vst v63  }
0x53: {  	s22 =	rddreg [dreg:$0xb]  }
0x54: {  	[tilespmem:s26], [sflag:$0x2] =	stream.linear.gather [hbm4b:s22+s5], $0x80, $0x38;
	[tilespmem:$0x1EA00] =	vst v63  }
0x55: {  	s22 =	smov.u32 s14  }
.LBB2_6:
0x56: {  	_ =	swait.ge [sflag:s28], $0x80  }
0x57: {  	[sflag:s28] =	ssyncset.done $0x0  }
0x58: {  	[sflag:s28] =	ssyncadd.s32 $0xFFFFFF80  }
0x59: {  	_ =	swait.ge [sflag:s28], $0x80  }
0x5a: {  	[sflag:s28] =	ssyncset.done $0x0  }
0x5b: {  	[sflag:s28] =	ssyncadd.s32 $0xFFFFFF80  }
0x5c: {  	[tilespmem:s29], [sflag:$0x4] =	stream.indirect.gather [hbm4b:s0+s25], $0x80, s25, s25, $0xb8;
	[tilespmem:$0x1EA00] =	vst v63  }
0x5d: {  	_ =	swait.ge [sflag:s30], $0x4000  }
0x5e: {  	[sflag:s30] =	ssyncset.done $0x0  }
0x5f: {  	[sflag:s30] =	ssyncadd.s32 $0xFFFFC000  }
0x60: {  	[spmem:s4] =	stream.indirect.scatter.add.f32 [tilespmem:s23], [sflag:$0x5], $0x80, s31, s25, $0xb8;
	[tilespmem:$0x1EA00] =	vst v63  }
0x61: {  	v2 =	vld [tilespmem:$0x100];
	_ =	sdelay $0x7  }
0x62: {  	[tilespmem:v2+s3+$0x0] =	vst.idx.add.f32.msk $0xffff, v1  }
0x63: {  	v2 =	vld [tilespmem:$0x110];
	_ =	sdelay $0x7  }
0x64: {  	[tilespmem:v2+s3+$0x0] =	vst.idx.add.f32.msk $0xffff, v1  }
0x65: {  	v2 =	vld [tilespmem:$0x120];
	_ =	sdelay $0x7  }
0x66: {  	[tilespmem:v2+s3+$0x0] =	vst.idx.add.f32.msk $0xffff, v1  }
0x67: {  	v2 =	vld [tilespmem:$0x130];
	_ =	sdelay $0x7  }
0x68: {  	[tilespmem:v2+s3+$0x0] =	vst.idx.add.f32.msk $0xffff, v1  }
0x69: {  	v2 =	vld [tilespmem:$0x140];
	_ =	sdelay $0x7  }
0x6a: {  	[tilespmem:v2+s3+$0x0] =	vst.idx.add.f32.msk $0xffff, v1  }
0x6b: {  	v2 =	vld [tilespmem:$0x150];
	_ =	sdelay $0x7  }
0x6c: {  	[tilespmem:v2+s3+$0x0] =	vst.idx.add.f32.msk $0xffff, v1  }
0x6d: {  	v2 =	vld [tilespmem:$0x160];
	_ =	sdelay $0x7  }
0x6e: {  	[tilespmem:v2+s3+$0x0] =	vst.idx.add.f32.msk $0xffff, v1  }
0x6f: {  	v2 =	vld [tilespmem:$0x170];
	_ =	sdelay $0x7  }
0x70: {  	[tilespmem:v2+s3+$0x0] =	vst.idx.add.f32.msk $0xffff, v1  }
0x71: {  	s15 =	sadd.s32 s13, s16;
	_ =	swait.ge [sflag:s1], $0x4000  }
0x72: {  	s15 =	sshrl.u32 s15, $0x2;
	[sflag:s1] =	ssyncset.done $0x0  }
0x73: {  	s17 =	sadd.s32 s2, s15;
	[sflag:s1] =	ssyncadd.s32 $0xFFFFC000  }
0x74: {  	[tilespmem:s5], [sflag:$0x1] =	stream.linear.gather [hbm4b:s17+s5], $0x80, $0x38;
	[tilespmem:$0x1EA00] =	vst v63  }
0x75: {  	s15 =	sadd.s32 s15, s12  }
0x76: {  	[tilespmem:s31], [sflag:$0x1] =	stream.linear.gather [hbm4b:s15+s5], $0x80, $0x38;
	[tilespmem:$0x1EA00] =	vst v63  }
0x77: {  	_ =	swait.ge [sflag:s7], $0x80  }
0x78: {  	[sflag:s7] =	ssyncset.done $0x0  }
0x79: {  	[sflag:s7] =	ssyncadd.s32 $0xFFFFFF80  }
0x7a: {  	_ =	swait.ge [sflag:s7], $0x80  }
0x7b: {  	[sflag:s7] =	ssyncset.done $0x0  }
0x7c: {  	[sflag:s7] =	ssyncadd.s32 $0xFFFFFF80  }
0x7d: {  	[tilespmem:s23], [sflag:$0x3] =	stream.indirect.gather [hbm4b:s0+s25], $0x80, s5, s25, $0xb8;
	[tilespmem:$0x1EA00] =	vst v63  }
0x7e: {  	_ =	swait.ge [sflag:s8], $0x4000  }
0x7f: {  	[sflag:s8] =	ssyncset.done $0x0  }
0x80: {  	[sflag:s8] =	ssyncadd.s32 $0xFFFFC000  }
0x81: {  	[spmem:s4] =	stream.indirect.scatter.add.f32 [tilespmem:s29], [sflag:$0x6], $0x80, s26, s25, $0xb8;
	[tilespmem:$0x1EA00] =	vst v63  }
0x82: {  	v2 =	vld [tilespmem:$0x180];
	_ =	sdelay $0x7  }
0x83: {  	[tilespmem:v2+s3+$0x0] =	vst.idx.add.f32.msk $0xffff, v1  }
0x84: {  	v2 =	vld [tilespmem:$0x190];
	_ =	sdelay $0x7  }
0x85: {  	[tilespmem:v2+s3+$0x0] =	vst.idx.add.f32.msk $0xffff, v1  }
0x86: {  	v2 =	vld [tilespmem:$0x1A0];
	_ =	sdelay $0x7  }
0x87: {  	[tilespmem:v2+s3+$0x0] =	vst.idx.add.f32.msk $0xffff, v1  }
0x88: {  	v2 =	vld [tilespmem:$0x1B0];
	_ =	sdelay $0x7  }
0x89: {  	[tilespmem:v2+s3+$0x0] =	vst.idx.add.f32.msk $0xffff, v1  }
0x8a: {  	v2 =	vld [tilespmem:$0x1C0];
	_ =	sdelay $0x7  }
0x8b: {  	[tilespmem:v2+s3+$0x0] =	vst.idx.add.f32.msk $0xffff, v1  }
0x8c: {  	v2 =	vld [tilespmem:$0x1D0];
	_ =	sdelay $0x7  }
0x8d: {  	[tilespmem:v2+s3+$0x0] =	vst.idx.add.f32.msk $0xffff, v1  }
0x8e: {  	v2 =	vld [tilespmem:$0x1E0];
	_ =	sdelay $0x7  }
0x8f: {  	[tilespmem:v2+s3+$0x0] =	vst.idx.add.f32.msk $0xffff, v1  }
0x90: {  	v2 =	vld [tilespmem:$0x1F0];
	_ =	sdelay $0x7  }
0x91: {  	[tilespmem:v2+s3+$0x0] =	vst.idx.add.f32.msk $0xffff, v1  }
0x92: {  	_ =	swait.ge [sflag:s9], $0x4000  }
0x93: {  	p1 =	sne.s32 s13, $0x2700;
	[sflag:s9] =	ssyncset.done $0x0  }
.Ltmp2:
0x94: {  	s18 =	sadd.s32 $0xFFFFFFF0, s22;
	[sflag:s9] =	ssyncadd.s32 $0xFFFFC000;
	(pc) =	sbr.rel @p1 .LBB2_6-.Ltmp2, $4  }
0x95: {  	[tilespmem:s25], [sflag:$0x2] =	stream.linear.gather [hbm4b:s18+s5], $0x80, $0x38;
	[tilespmem:$0x1EA00] =	vst v63  }
0x96: {  	_ = 	snop  }
0x97: {  	[tilespmem:s26], [sflag:$0x2] =	stream.linear.gather [hbm4b:s22+s5], $0x80, $0x38;
	[tilespmem:$0x1EA00] =	vst v63  }
0x98: {  	s13 =	sadd.s32 $0x100, s13;
	s22 =	sadd.s32 $0x40, s22  }
0x99: {  	_ =	swait.ge [sflag:s30], $0x4000  }
0x9a: {  	[sflag:s30] =	ssyncset.done $0x0  }
0x9b: {  	[sflag:s30] =	ssyncadd.s32 $0xFFFFC000  }
0x9c: {  	_ =	swait.ge [sflag:s28], $0x80  }
0x9d: {  	[sflag:s28] =	ssyncset.done $0x0  }
0x9e: {  	[sflag:s28] =	ssyncadd.s32 $0xFFFFFF80  }
0x9f: {  	_ =	swait.ge [sflag:s28], $0x80  }
0xa0: {  	[sflag:s28] =	ssyncset.done $0x0  }
0xa1: {  	s13 =	simm.s32 @!p0 $0x0;
	s15 =	rddreg [dreg:$0xc];
	[sflag:s28] =	ssyncadd.s32 $0xFFFFFF80  }
0xa2: {  	[tilespmem:s13], [sflag:$0x7] =	stream.linear.gather @!p0 [hbm4b:s15+s13], $0x80, $0x38;
	[tilespmem:$0x1EA00] =	vst v63  }
0xa3: {  	s15 =	simm.s32 @!p0 $0x7  }
0xa4: {  	_ =	swait.ge @!p0 [sflag:s15], $0x80  }
0xa5: {  	[sflag:s15] =	ssyncset.done @!p0 $0x0  }
0xa6: {  	s17 =	simm.s32 @!p0 $0x100;
	s18 =	rddreg [dreg:$0xd];
	[sflag:s15] =	ssyncadd.s32 @!p0 $0xFFFFFF80  }
0xa7: {  	[tilespmem:s17], [sflag:$0x7] =	stream.linear.gather @!p0 [hbm4b:s18+s13], $0x80, $0x38;
	[tilespmem:$0x1EA00] =	vst v63  }
0xa8: {  	_ =	swait.ge @!p0 [sflag:s15], $0x80  }
0xa9: {  	[sflag:s15] =	ssyncset.done @!p0 $0x0  }
0xaa: {  	s22 =	simm.s32 @!p0 $0x80;
	s18 =	simm.s32 @!p0 $0x200;
	[sflag:s15] =	ssyncadd.s32 @!p0 $0xFFFFFF80  }
0xab: {  	[tilespmem:s18], [sflag:$0x7] =	stream.indirect.gather @!p0 [hbm4b:s0+s22], $0x80, s13, s22, $0xb8;
	[tilespmem:$0x1EA00] =	vst v63  }
0xac: {  	_ =	swait.ge @!p0 [sflag:s15], $0x4000  }
0xad: {  	[sflag:s15] =	ssyncset.done @!p0 $0x0  }
0xae: {  	[sflag:s15] =	ssyncadd.s32 @!p0 $0xFFFFC000  }
0xaf: {  	[spmem:s4] =	stream.indirect.scatter.add.f32 @!p0 [tilespmem:s18], [sflag:$0x5], $0x80, s17, s22, $0xb8;
	[tilespmem:$0x1EA00] =	vst v63  }
0xb0: {  	v2 =	vld @!p0 [tilespmem:$0x100];
	_ =	sdelay $0x6  }
0xb1: {  	v3 =	vimm.f32 @!p0 $1.000000000e+00;
	s13 =	simm.s32 @!p0 $0x8200  }
0xb2: {  	[tilespmem:v2+s13+$0x0] =	vst.idx.add.f32.msk @!p0 $0xffff, v3  }
0xb3: {  	v2 =	vld @!p0 [tilespmem:$0x110];
	_ =	sdelay $0x7  }
0xb4: {  	[tilespmem:v2+s13+$0x0] =	vst.idx.add.f32.msk @!p0 $0xffff, v3  }
0xb5: {  	v2 =	vld @!p0 [tilespmem:$0x120];
	_ =	sdelay $0x7  }
0xb6: {  	[tilespmem:v2+s13+$0x0] =	vst.idx.add.f32.msk @!p0 $0xffff, v3  }
0xb7: {  	v2 =	vld @!p0 [tilespmem:$0x130];
	_ =	sdelay $0x7  }
0xb8: {  	[tilespmem:v2+s13+$0x0] =	vst.idx.add.f32.msk @!p0 $0xffff, v3  }
0xb9: {  	v2 =	vld @!p0 [tilespmem:$0x140];
	_ =	sdelay $0x7  }
0xba: {  	[tilespmem:v2+s13+$0x0] =	vst.idx.add.f32.msk @!p0 $0xffff, v3  }
0xbb: {  	v2 =	vld @!p0 [tilespmem:$0x150];
	_ =	sdelay $0x7  }
0xbc: {  	[tilespmem:v2+s13+$0x0] =	vst.idx.add.f32.msk @!p0 $0xffff, v3  }
0xbd: {  	v2 =	vld @!p0 [tilespmem:$0x160];
	_ =	sdelay $0x7  }
0xbe: {  	[tilespmem:v2+s13+$0x0] =	vst.idx.add.f32.msk @!p0 $0xffff, v3  }
0xbf: {  	v2 =	vld @!p0 [tilespmem:$0x170];
	_ =	sdelay $0x7  }
0xc0: {  	[tilespmem:v2+s13+$0x0] =	vst.idx.add.f32.msk @!p0 $0xffff, v3;
	s13 =	simm.s32 @!p0 $0x5  }
0xc1: {  	_ =	swait.ge @!p0 [sflag:s13], $0x4000  }
0xc2: {  	s17 =	stileid.u32;
	[sflag:s13] =	ssyncset.done @!p0 $0x0  }
0xc3: {  	[sflag:s13] =	ssyncadd.s32 @!p0 $0xFFFFC000;
	s13 =	sshll.u32 s17, $0x6  }
0xc4: {  	s18 =	sshrl.u32 s6, $0x3;
	[bflag:$0x0] =	sbarrier.arrive $0xFFFF;
	s13 =	sor.u32 $0x1C07, s13  }
0xc5: {  	[hbm:s19], [sflag:s13] =	dma.local [spmem:s18], $0x2800  }
0xc6: {  	s10 =	sadd.s32 $0x1, s10;
	_ =	swait.ge [sflag:s24], $0x2800  }
0xc7: {  	p1 =	sne.s32 s10, s21;
	[sflag:s24] =	ssyncset.done $0x0  }
.Ltmp3:
0xc8: {  	s22 =	simm.s32 $0x400;
	[sflag:s24] =	ssyncadd.s32 $0xFFFFD800;
	(pc) =	sbr.rel @p1 .LBB2_1-.Ltmp3, $4  }
0xc9: {  	[hbm4b:s20+s25] =	stream.strided.scatter [tilespmem:s3], [sflag:$0x7], $0x2800, s22, s25, $0x38;
	[tilespmem:$0x1EA00] =	vst v63  }
0xca: {  	_ =	swait.ge [sflag:s24], $0x2800  }
0xcb: {  	[sflag:s24] =	ssyncset.done $0x0  }
0xcc: {  	[sflag:s24] =	ssyncadd.s32 $0xFFFFD800  }
0xcd: {  	_ =	sfence.sel $0x180000  }
0xce: {  	[bflag:$0x0] =	sbarrier.arrive $0xFFFF  }
0xcf: {  	_ =	strace $0x90000047  }
0xd0: {  	s0 =	stileid.u32;
	[bflag:$0x2] =	sbarrier.arrive $0xFFFF  }
0xd1: {  	p0 =	sne.s32 s0, $0x0;
	s0 =	rddreg [dreg:$0x4]  }
0xd2: {  	s0 =	sadd.s32 @!p0 $0x100000, s0  }
0xd3: {  	[sflag:s0] =	ssyncadd.tile.s32 @!p0 $0x1;
	_ =	shalt  }
.Lfunc_end2:
_tile_overlayer_lowered:
.L_overlay_start_2:
0xd4: {  	(tag) =	ssettag $0x2  }
0xd5: {  	s0 =	rddreg [dreg:$0x0];
	s2 =	stileid.u32  }
0xd6: {  	s1 =	rddreg [dreg:$0x1];
	p0 =	sne.s32 s2, $0x0  }
0xd7: {  	s3 =	rddreg [dreg:$0x2];
	[bflag:$0x3] =	sbarrier.arrive $0xFFFF;
	s2 =	simm.s32 @!p0 $0x1C07  }
0xd8: {  	[timem:s3], [sflag:s2] =	dma.local @!p0 [hbm:s0], s1  }
0xd9: {  	s0 =	simm.s32 @!p0 $0x7  }
0xda: {  	_ =	swait.ge @!p0 [sflag:s0], s1  }
0xdb: {  	s1 =	ssub.s32 @!p0 $0x0, s1;
	[sflag:s0] =	ssyncset.done @!p0 $0x0  }
0xdc: {  	[sflag:s0] =	ssyncadd.s32 @!p0 s1  }
0xdd: {  	[bflag:$0x3] =	sbarrier.arrive $0xFFFF  }
0xde: {  	_ =	shalt  }

</sc_bundles>
